<compile_context>
chip_gen: v7x
topology: tpu7x:2x2x1
jax: 0.10.2.dev20260603
libtpu: 0.0.44.dev20260713+nightly
codegen_flags: <defaults>
</compile_context>

<pallas_src>
import functools

import jax
import jax.numpy as jnp
from jax import lax
from jax.experimental import pallas as pl
from jax.experimental.pallas import tpu as pltpu
from jax.experimental.pallas import tpu_sc as plsc

N = 10000
E = 320000
D = 128

NC = 2
NS = 16
CH = 125
W = 40

EPT = E // (NC * NS)
JPT = EPT // CH
S0 = (N // NS) // 8 * 8
NTAIL = N - NS * S0

_mesh = plsc.VectorSubcoreMesh(core_axis_name="c", subcore_axis_name="s")


@functools.partial(
    pl.kernel,
    mesh=_mesh,
    out_type=(
        jax.ShapeDtypeStruct((N, D), jnp.float32),
        jax.ShapeDtypeStruct((N, D), jnp.float32),
    ),
    scratch_types=[
        pltpu.VMEM((W, CH), jnp.int32),
        pltpu.VMEM((W, CH), jnp.int32),
        pltpu.VMEM((CH, D), jnp.float32),
        pltpu.VMEM((CH, D), jnp.float32),
        pltpu.VMEM_SHARED((N, D), jnp.float32),
        pltpu.SemaphoreType.DMA,
        pltpu.SemaphoreType.DMA,
        pltpu.SemaphoreType.DMA,
        pltpu.SemaphoreType.DMA,
    ],
)
def _sc_segment_sum(h_hbm, ei_hbm, zero_hbm, out0_hbm, out1_hbm,
                    srcv, dstv, rows0, rows1, acc, g0, g1, s0, s1):
    c = lax.axis_index("c")
    s = lax.axis_index("s")
    wid = c * NS + s

    pltpu.async_copy(ei_hbm.at[0, wid, pl.ds(0, W)], srcv, g0)
    pltpu.async_copy(ei_hbm.at[1, wid, pl.ds(0, W)], dstv, g1)

    pltpu.sync_copy(zero_hbm.at[pl.ds(s * S0, S0)], acc.at[pl.ds(s * S0, S0)])

    @pl.when(s == NS - 1)
    def _():
        pltpu.sync_copy(zero_hbm.at[pl.ds(NS * S0, NTAIL)],
                        acc.at[pl.ds(NS * S0, NTAIL)])

    pltpu.make_async_copy(ei_hbm.at[0, wid, pl.ds(0, W)], srcv, g0).wait()
    pltpu.make_async_copy(ei_hbm.at[1, wid, pl.ds(0, W)], dstv, g1).wait()
    plsc.subcore_barrier()

    def wbody(w, carry):
        @pl.when(w > 0)
        def _():
            pltpu.sync_copy(ei_hbm.at[0, wid, pl.ds(w * W, W)], srcv)
            pltpu.sync_copy(ei_hbm.at[1, wid, pl.ds(w * W, W)], dstv)

        pltpu.async_copy(h_hbm.at[srcv.at[0]], rows0, g0)

        @pl.when(w == 0)
        def _():
            pltpu.sync_copy(zero_hbm.at[dstv.at[0]], rows1)
            pltpu.async_copy(rows1, acc.at[dstv.at[0]], s1, add=True)

        def body(i, carry):
            j = i * 2
            pltpu.make_async_copy(h_hbm.at[srcv.at[j]], rows0, g0).wait()
            pltpu.async_copy(rows0, acc.at[dstv.at[j]], s0, add=True)
            pltpu.make_async_copy(rows1, acc.at[dstv.at[j]], s1).wait()
            pltpu.async_copy(h_hbm.at[srcv.at[j + 1]], rows1, g1)

            pltpu.make_async_copy(h_hbm.at[srcv.at[j + 1]], rows1, g1).wait()
            pltpu.async_copy(rows1, acc.at[dstv.at[j + 1]], s1, add=True)
            pltpu.make_async_copy(rows0, acc.at[dstv.at[j]], s0).wait()

            @pl.when(j + 2 < W)
            def _():
                pltpu.async_copy(h_hbm.at[srcv.at[j + 2]], rows0, g0)

            return carry

        lax.fori_loop(0, W // 2, body, 0)
        return carry

    lax.fori_loop(0, JPT // W, wbody, 0)
    pltpu.make_async_copy(rows1, acc.at[dstv.at[0]], s1).wait()
    plsc.subcore_barrier()

    @pl.when(c == 0)
    def _():
        pltpu.sync_copy(acc.at[pl.ds(s * S0, S0)],
                        out0_hbm.at[pl.ds(s * S0, S0)])

        @pl.when(s == NS - 1)
        def _():
            pltpu.sync_copy(acc.at[pl.ds(NS * S0, NTAIL)],
                            out0_hbm.at[pl.ds(NS * S0, NTAIL)])

    @pl.when(c == 1)
    def _():
        pltpu.sync_copy(acc.at[pl.ds(s * S0, S0)],
                        out1_hbm.at[pl.ds(s * S0, S0)])

        @pl.when(s == NS - 1)
        def _():
            pltpu.sync_copy(acc.at[pl.ds(NS * S0, NTAIL)],
                            out1_hbm.at[pl.ds(NS * S0, NTAIL)])


BN = 1000


def _mlp_body(p0, p1, w1, b1, w2, o):
    a = p0[...] + p1[...]
    t = jnp.dot(a, w1[...], preferred_element_type=jnp.float32) + b1[...]
    t = jnp.maximum(t, 0.0)
    o[...] = jnp.dot(t, w2[...], preferred_element_type=jnp.float32)


_tc_mlp = pl.pallas_call(
    _mlp_body,
    grid=(N // BN,),
    in_specs=[
        pl.BlockSpec((BN, D), lambda i: (i, 0)),
        pl.BlockSpec((BN, D), lambda i: (i, 0)),
        pl.BlockSpec((D, D), lambda i: (0, 0)),
        pl.BlockSpec((1, D), lambda i: (0, 0)),
        pl.BlockSpec((D, D), lambda i: (0, 0)),
    ],
    out_specs=pl.BlockSpec((BN, D), lambda i: (i, 0)),
    out_shape=jax.ShapeDtypeStruct((N, D), jnp.float32),
)


def _bias_body(p0, p1, b2, o):
    o[...] = p0[...] + p1[...] + b2[...]


_tc_bias = pl.pallas_call(
    _bias_body,
    grid=(N // BN,),
    in_specs=[
        pl.BlockSpec((BN, D), lambda i: (i, 0)),
        pl.BlockSpec((BN, D), lambda i: (i, 0)),
        pl.BlockSpec((1, D), lambda i: (0, 0)),
    ],
    out_specs=pl.BlockSpec((BN, D), lambda i: (i, 0)),
    out_shape=jax.ShapeDtypeStruct((N, D), jnp.float32),
)


def kernel(x, edge_index, W1, b1, W2, b2):
    ei = edge_index.reshape(2, NC * NS, JPT, CH)
    zeros = jnp.zeros((N, D), jnp.float32)
    p0, p1 = _sc_segment_sum(x, ei, zeros)
    h2 = _tc_mlp(p0, p1, W1, b1.reshape(1, D), W2)
    q0, q1 = _sc_segment_sum(h2, ei, zeros)
    return _tc_bias(q0, q1, b2.reshape(1, D))

# --- scband reference (transcript-rebuilt; emitter-appended) ---
"""Pipeline reference for scband-gnn-82532091560013 (READ-ONLY COPY).

The authoritative reference and input builder live on the scoring server;
editing this copy changes nothing except your own understanding.
"""

import jax, jax.numpy as jnp
import numpy as np

N_NODES = 10000
N_EDGES = 320000
D = 128


def setup_inputs(seed: int = 0) -> dict:
    key = jax.random.key(seed)
    k1, k2, k3, k4, k5, k6 = jax.random.split(key, 6)
    x = jax.random.normal(k1, (N_NODES, D), dtype=jnp.float32)
    # int32 indices (jax default int width without x64); values in [0, N_NODES)
    edge_index = jax.random.randint(k2, (2, N_EDGES), 0, N_NODES, dtype=jnp.int32)
    scale = 1.0 / np.sqrt(D)
    W1 = jax.random.normal(k3, (D, D), dtype=jnp.float32) * scale
    b1 = jnp.zeros((D,), dtype=jnp.float32)
    W2 = jax.random.normal(k4, (D, D), dtype=jnp.float32) * scale
    b2 = jnp.zeros((D,), dtype=jnp.float32)
    return {"x": x, "edge_index": edge_index, "W1": W1, "b1": b1, "W2": W2, "b2": b2}


def _gcn_layer(x, edge_index, W, b):
    # GCNConv(improved=False, add_self_loops=False, normalize=False):
    # h = x @ W; out[dst] += h[src]; out += b
    h = x @ W
    src = edge_index[0]
    dst = edge_index[1]
    msgs = jnp.take(h, src, axis=0)                      # gather
    agg = jax.ops.segment_sum(msgs, dst, num_segments=x.shape[0])  # scatter-add
    return agg + b


def reference(x, edge_index, W1, b1, W2, b2):
    # Two stacked vanilla GCN layers with ReLU between (relu_between_gcn_layers=True,
    # gcn_drop=0.0 so dropout is identity). Returns contextual node embeddings.
    h = _gcn_layer(x, edge_index, W1, b1)
    h = jax.nn.relu(h)
    h = _gcn_layer(h, edge_index, W2, b2)
    return h

if __name__ == "__main__":
    import jax
    _d = setup_inputs()
    print(jax.jit(kernel)(*tuple(_d.values())))

</pallas_src>

<mosaic_0001>
#map = affine_map<(d0, d1) -> (0, 0)>
#map1 = affine_map<(d0, d1) -> (0, 0, 0, 0)>
module attributes {stable_mosaic.version = 14 : i64} {
  func.func @_sc_segment_sum(%arg0: i32, %arg1: i32, %arg2: memref<10000x128xf32, #tpu.memory_space<hbm>>, %arg3: memref<2x32x80x125xi32, #tpu.memory_space<hbm>>, %arg4: memref<10000x128xf32, #tpu.memory_space<hbm>>, %arg5: memref<10000x128xf32, #tpu.memory_space<hbm>>, %arg6: memref<10000x128xf32, #tpu.memory_space<hbm>>, %arg7: memref<40x125xi32, #tpu.memory_space<vmem>>, %arg8: memref<40x125xi32, #tpu.memory_space<vmem>>, %arg9: memref<125x128xf32, #tpu.memory_space<vmem>>, %arg10: memref<125x128xf32, #tpu.memory_space<vmem>>, %arg11: memref<10000x128xf32, #tpu.memory_space<vmem_shared>>, %arg12: memref<!tpu.dma_semaphore, #tpu.memory_space<semaphore_mem>>, %arg13: memref<!tpu.dma_semaphore, #tpu.memory_space<semaphore_mem>>, %arg14: memref<!tpu.dma_semaphore, #tpu.memory_space<semaphore_mem>>, %arg15: memref<!tpu.dma_semaphore, #tpu.memory_space<semaphore_mem>>) attributes {dimension_semantics = [#tpu.dimension_semantics<core_parallel>, #tpu.dimension_semantics<subcore_parallel>], iteration_bounds = array<i64: 2, 16>, scalar_prefetch = 0 : i64, scratch_operands = 9 : i64, tpu.core_type = #tpu.core_type<sc_vector_subcore>, window_params = [{transform_indices = #map}, {transform_indices = #map1}, {transform_indices = #map}, {transform_indices = #map}, {transform_indices = #map}]} {
    %mul3A = arith.constant 16 : i32
    %mul3A_0 = arith.muli %arg0, %mul3A : i32
    %add3A = arith.addi %mul3A_0, %arg1 : i32
    %dma_start3A = arith.constant 0 : i32
    %dma_start3A_1 = arith.constant 0 : i32
    %dma_start3A_2 = arith.constant 0 : i32
    %dma_start3A_3 = tpu.memref_slice %arg3[%dma_start3A, %add3A, %dma_start3A_1, %dma_start3A_2] : memref<2x32x80x125xi32, #tpu.memory_space<hbm>> -> memref<1x1x40x125xi32, #tpu.memory_space<hbm>>
    %dma_start3A_4 = tpu.memref_squeeze %dma_start3A_3 : memref<1x1x40x125xi32, #tpu.memory_space<hbm>> -> memref<40x125xi32, #tpu.memory_space<hbm>>
    %dma_start3A_5 = arith.constant 0 : i32
    %dma_start3A_6 = arith.constant 0 : i32
    %dma_start3A_7 = tpu.memref_slice %arg3[%dma_start3A, %add3A, %dma_start3A_5, %dma_start3A_6] : memref<2x32x80x125xi32, #tpu.memory_space<hbm>> -> memref<1x1x40x125xi32, #tpu.memory_space<hbm>>
    %dma_start3A_8 = tpu.memref_squeeze %dma_start3A_7 : memref<1x1x40x125xi32, #tpu.memory_space<hbm>> -> memref<40x125xi32, #tpu.memory_space<hbm>>
    tpu.enqueue_dma source(%dma_start3A_8 : memref<40x125xi32, #tpu.memory_space<hbm>>) target(%arg7 : memref<40x125xi32, #tpu.memory_space<vmem>>) target_semaphore(%arg12 : memref<!tpu.dma_semaphore, #tpu.memory_space<semaphore_mem>>)
    %dma_start3A_9 = arith.constant 1 : i32
    %dma_start3A_10 = arith.constant 0 : i32
    %dma_start3A_11 = arith.constant 0 : i32
    %dma_start3A_12 = tpu.memref_slice %arg3[%dma_start3A_9, %add3A, %dma_start3A_10, %dma_start3A_11] : memref<2x32x80x125xi32, #tpu.memory_space<hbm>> -> memref<1x1x40x125xi32, #tpu.memory_space<hbm>>
    %dma_start3A_13 = tpu.memref_squeeze %dma_start3A_12 : memref<1x1x40x125xi32, #tpu.memory_space<hbm>> -> memref<40x125xi32, #tpu.memory_space<hbm>>
    %dma_start3A_14 = arith.constant 0 : i32
    %dma_start3A_15 = arith.constant 0 : i32
    %dma_start3A_16 = tpu.memref_slice %arg3[%dma_start3A_9, %add3A, %dma_start3A_14, %dma_start3A_15] : memref<2x32x80x125xi32, #tpu.memory_space<hbm>> -> memref<1x1x40x125xi32, #tpu.memory_space<hbm>>
    %dma_start3A_17 = tpu.memref_squeeze %dma_start3A_16 : memref<1x1x40x125xi32, #tpu.memory_space<hbm>> -> memref<40x125xi32, #tpu.memory_space<hbm>>
    tpu.enqueue_dma source(%dma_start3A_17 : memref<40x125xi32, #tpu.memory_space<hbm>>) target(%arg8 : memref<40x125xi32, #tpu.memory_space<vmem>>) target_semaphore(%arg13 : memref<!tpu.dma_semaphore, #tpu.memory_space<semaphore_mem>>)
    %mul3A_18 = arith.constant 624 : i32
    %mul3A_19 = arith.muli %arg1, %mul3A_18 : i32
    %mul3A_20 = arith.constant 624 : i32
    %mul3A_21 = arith.muli %arg1, %mul3A_20 : i32
    "tpu.region"() ({
      %run_scoped3A = tpu.sem_alloc : memref<!tpu.dma_semaphore, #tpu.memory_space<semaphore_mem>>
      %dma_start3A_64 = arith.constant 0 : i32
      %dma_start3A_65 = tpu.memref_slice %arg11[%mul3A_21, %dma_start3A_64] : memref<10000x128xf32, #tpu.memory_space<vmem_shared>> -> memref<624x128xf32, #tpu.memory_space<vmem_shared>>
      %dma_start3A_66 = arith.constant 0 : i32
      %dma_start3A_67 = tpu.memref_slice %arg4[%mul3A_19, %dma_start3A_66] : memref<10000x128xf32, #tpu.memory_space<hbm>> -> memref<624x128xf32, #tpu.memory_space<hbm>>
      tpu.enqueue_dma source(%dma_start3A_67 : memref<624x128xf32, #tpu.memory_space<hbm>>) target(%dma_start3A_65 : memref<624x128xf32, #tpu.memory_space<vmem_shared>>) target_semaphore(%run_scoped3A : memref<!tpu.dma_semaphore, #tpu.memory_space<semaphore_mem>>)
      %dma_wait3A_68 = arith.constant 0 : i32
      %dma_wait3A_69 = tpu.memref_slice %arg11[%mul3A_21, %dma_wait3A_68] : memref<10000x128xf32, #tpu.memory_space<vmem_shared>> -> memref<624x128xf32, #tpu.memory_space<vmem_shared>>
      %dma_wait3A_70 = arith.constant 0 : i32
      %dma_wait3A_71 = tpu.memref_slice %arg4[%mul3A_19, %dma_wait3A_70] : memref<10000x128xf32, #tpu.memory_space<hbm>> -> memref<624x128xf32, #tpu.memory_space<hbm>>
      tpu.wait_dma2 semaphore(%run_scoped3A : memref<!tpu.dma_semaphore, #tpu.memory_space<semaphore_mem>>) src(%dma_wait3A_71 : memref<624x128xf32, #tpu.memory_space<hbm>>) dst(%dma_wait3A_69 : memref<624x128xf32, #tpu.memory_space<vmem_shared>>)
      tpu.yield
    }) : () -> ()
    %eq3A = arith.constant 15 : i32
    %eq3A_22 = arith.cmpi eq, %arg1, %eq3A : i32
    %convert_element_type3A = arith.extui %eq3A_22 : i1 to i32
    %cond3A = arith.constant 0 : i32
    %cond3A_23 = arith.cmpi ne, %convert_element_type3A, %cond3A : i32
    scf.if %cond3A_23 {
      "tpu.region"() ({
        %run_scoped3A = tpu.sem_alloc : memref<!tpu.dma_semaphore, #tpu.memory_space<semaphore_mem>>
        %dma_start3A_64 = arith.constant 9984 : i32
        %dma_start3A_65 = arith.constant 0 : i32
        %dma_start3A_66 = tpu.memref_slice %arg11[%dma_start3A_64, %dma_start3A_65] : memref<10000x128xf32, #tpu.memory_space<vmem_shared>> -> memref<16x128xf32, #tpu.memory_space<vmem_shared>>
        %dma_start3A_67 = arith.constant 9984 : i32
        %dma_start3A_68 = arith.constant 0 : i32
        %dma_start3A_69 = tpu.memref_slice %arg4[%dma_start3A_67, %dma_start3A_68] : memref<10000x128xf32, #tpu.memory_space<hbm>> -> memref<16x128xf32, #tpu.memory_space<hbm>>
        tpu.enqueue_dma source(%dma_start3A_69 : memref<16x128xf32, #tpu.memory_space<hbm>>) target(%dma_start3A_66 : memref<16x128xf32, #tpu.memory_space<vmem_shared>>) target_semaphore(%run_scoped3A : memref<!tpu.dma_semaphore, #tpu.memory_space<semaphore_mem>>)
        %dma_wait3A_70 = arith.constant 9984 : i32
        %dma_wait3A_71 = arith.constant 0 : i32
        %dma_wait3A_72 = tpu.memref_slice %arg11[%dma_wait3A_70, %dma_wait3A_71] : memref<10000x128xf32, #tpu.memory_space<vmem_shared>> -> memref<16x128xf32, #tpu.memory_space<vmem_shared>>
        %dma_wait3A_73 = arith.constant 9984 : i32
        %dma_wait3A_74 = arith.constant 0 : i32
        %dma_wait3A_75 = tpu.memref_slice %arg4[%dma_wait3A_73, %dma_wait3A_74] : memref<10000x128xf32, #tpu.memory_space<hbm>> -> memref<16x128xf32, #tpu.memory_space<hbm>>
        tpu.wait_dma2 semaphore(%run_scoped3A : memref<!tpu.dma_semaphore, #tpu.memory_space<semaphore_mem>>) src(%dma_wait3A_75 : memref<16x128xf32, #tpu.memory_space<hbm>>) dst(%dma_wait3A_72 : memref<16x128xf32, #tpu.memory_space<vmem_shared>>)
        tpu.yield
      }) : () -> ()
    } else {
    }
    %dma_wait3A = arith.constant 0 : i32
    %dma_wait3A_24 = arith.constant 0 : i32
    %dma_wait3A_25 = arith.constant 0 : i32
    %dma_wait3A_26 = tpu.memref_slice %arg3[%dma_wait3A, %add3A, %dma_wait3A_24, %dma_wait3A_25] : memref<2x32x80x125xi32, #tpu.memory_space<hbm>> -> memref<1x1x40x125xi32, #tpu.memory_space<hbm>>
    %dma_wait3A_27 = tpu.memref_squeeze %dma_wait3A_26 : memref<1x1x40x125xi32, #tpu.memory_space<hbm>> -> memref<40x125xi32, #tpu.memory_space<hbm>>
    %dma_wait3A_28 = arith.constant 0 : i32
    %dma_wait3A_29 = arith.constant 0 : i32
    %dma_wait3A_30 = tpu.memref_slice %arg3[%dma_wait3A, %add3A, %dma_wait3A_28, %dma_wait3A_29] : memref<2x32x80x125xi32, #tpu.memory_space<hbm>> -> memref<1x1x40x125xi32, #tpu.memory_space<hbm>>
    %dma_wait3A_31 = tpu.memref_squeeze %dma_wait3A_30 : memref<1x1x40x125xi32, #tpu.memory_space<hbm>> -> memref<40x125xi32, #tpu.memory_space<hbm>>
    tpu.wait_dma2 semaphore(%arg12 : memref<!tpu.dma_semaphore, #tpu.memory_space<semaphore_mem>>) src(%dma_wait3A_31 : memref<40x125xi32, #tpu.memory_space<hbm>>) dst(%arg7 : memref<40x125xi32, #tpu.memory_space<vmem>>)
    %dma_wait3A_32 = arith.constant 1 : i32
    %dma_wait3A_33 = arith.constant 0 : i32
    %dma_wait3A_34 = arith.constant 0 : i32
    %dma_wait3A_35 = tpu.memref_slice %arg3[%dma_wait3A_32, %add3A, %dma_wait3A_33, %dma_wait3A_34] : memref<2x32x80x125xi32, #tpu.memory_space<hbm>> -> memref<1x1x40x125xi32, #tpu.memory_space<hbm>>
    %dma_wait3A_36 = tpu.memref_squeeze %dma_wait3A_35 : memref<1x1x40x125xi32, #tpu.memory_space<hbm>> -> memref<40x125xi32, #tpu.memory_space<hbm>>
    %dma_wait3A_37 = arith.constant 0 : i32
    %dma_wait3A_38 = arith.constant 0 : i32
    %dma_wait3A_39 = tpu.memref_slice %arg3[%dma_wait3A_32, %add3A, %dma_wait3A_37, %dma_wait3A_38] : memref<2x32x80x125xi32, #tpu.memory_space<hbm>> -> memref<1x1x40x125xi32, #tpu.memory_space<hbm>>
    %dma_wait3A_40 = tpu.memref_squeeze %dma_wait3A_39 : memref<1x1x40x125xi32, #tpu.memory_space<hbm>> -> memref<40x125xi32, #tpu.memory_space<hbm>>
    tpu.wait_dma2 semaphore(%arg13 : memref<!tpu.dma_semaphore, #tpu.memory_space<semaphore_mem>>) src(%dma_wait3A_40 : memref<40x125xi32, #tpu.memory_space<hbm>>) dst(%arg8 : memref<40x125xi32, #tpu.memory_space<vmem>>)
    %barrier3A = arith.constant 0 : index
    tpu.barrier barrier_id(%barrier3A)
    %scan3A = arith.constant 0 : i32
    %scan3A_41 = arith.constant 0 : i32
    %scan3A_42 = arith.constant 2 : i32
    %scan3A_43 = arith.addi %scan3A_41, %scan3A_42 : i32
    %scan3A_44 = arith.constant 1 : i32
    scf.for %scan3A_64 = %scan3A_41 to %scan3A_43 step %scan3A_44  : i32 {
      %gt3A = arith.constant 0 : i32
      %gt3A_65 = arith.cmpi sgt, %scan3A_64, %gt3A : i32
      %convert_element_type3A_66 = arith.extui %gt3A_65 : i1 to i32
      %cond3A_67 = arith.constant 0 : i32
      %cond3A_68 = arith.cmpi ne, %convert_element_type3A_66, %cond3A_67 : i32
      scf.if %cond3A_68 {
        %mul3A_87 = arith.constant 40 : i32
        %mul3A_88 = arith.muli %scan3A_64, %mul3A_87 : i32
        %run_scoped3A = arith.constant 0 : i32
        "tpu.region"() ({
          %run_scoped3A_92 = tpu.sem_alloc : memref<!tpu.dma_semaphore, #tpu.memory_space<semaphore_mem>>
          %dma_start3A_93 = arith.constant 0 : i32
          %dma_start3A_94 = tpu.memref_slice %arg3[%run_scoped3A, %add3A, %mul3A_88, %dma_start3A_93] : memref<2x32x80x125xi32, #tpu.memory_space<hbm>> -> memref<1x1x40x125xi32, #tpu.memory_space<hbm>>
          %dma_start3A_95 = tpu.memref_squeeze %dma_start3A_94 : memref<1x1x40x125xi32, #tpu.memory_space<hbm>> -> memref<40x125xi32, #tpu.memory_space<hbm>>
          %dma_start3A_96 = arith.constant 0 : i32
          %dma_start3A_97 = tpu.memref_slice %arg3[%run_scoped3A, %add3A, %mul3A_88, %dma_start3A_96] : memref<2x32x80x125xi32, #tpu.memory_space<hbm>> -> memref<1x1x40x125xi32, #tpu.memory_space<hbm>>
          %dma_start3A_98 = tpu.memref_squeeze %dma_start3A_97 : memref<1x1x40x125xi32, #tpu.memory_space<hbm>> -> memref<40x125xi32, #tpu.memory_space<hbm>>
          tpu.enqueue_dma source(%dma_start3A_98 : memref<40x125xi32, #tpu.memory_space<hbm>>) target(%arg7 : memref<40x125xi32, #tpu.memory_space<vmem>>) target_semaphore(%run_scoped3A_92 : memref<!tpu.dma_semaphore, #tpu.memory_space<semaphore_mem>>)
          %dma_wait3A_99 = arith.constant 0 : i32
          %dma_wait3A_100 = tpu.memref_slice %arg3[%run_scoped3A, %add3A, %mul3A_88, %dma_wait3A_99] : memref<2x32x80x125xi32, #tpu.memory_space<hbm>> -> memref<1x1x40x125xi32, #tpu.memory_space<hbm>>
          %dma_wait3A_101 = tpu.memref_squeeze %dma_wait3A_100 : memref<1x1x40x125xi32, #tpu.memory_space<hbm>> -> memref<40x125xi32, #tpu.memory_space<hbm>>
          %dma_wait3A_102 = arith.constant 0 : i32
          %dma_wait3A_103 = tpu.memref_slice %arg3[%run_scoped3A, %add3A, %mul3A_88, %dma_wait3A_102] : memref<2x32x80x125xi32, #tpu.memory_space<hbm>> -> memref<1x1x40x125xi32, #tpu.memory_space<hbm>>
          %dma_wait3A_104 = tpu.memref_squeeze %dma_wait3A_103 : memref<1x1x40x125xi32, #tpu.memory_space<hbm>> -> memref<40x125xi32, #tpu.memory_space<hbm>>
          tpu.wait_dma2 semaphore(%run_scoped3A_92 : memref<!tpu.dma_semaphore, #tpu.memory_space<semaphore_mem>>) src(%dma_wait3A_104 : memref<40x125xi32, #tpu.memory_space<hbm>>) dst(%arg7 : memref<40x125xi32, #tpu.memory_space<vmem>>)
          tpu.yield
        }) : () -> ()
        %mul3A_89 = arith.constant 40 : i32
        %mul3A_90 = arith.muli %scan3A_64, %mul3A_89 : i32
        %run_scoped3A_91 = arith.constant 1 : i32
        "tpu.region"() ({
          %run_scoped3A_92 = tpu.sem_alloc : memref<!tpu.dma_semaphore, #tpu.memory_space<semaphore_mem>>
          %dma_start3A_93 = arith.constant 0 : i32
          %dma_start3A_94 = tpu.memref_slice %arg3[%run_scoped3A_91, %add3A, %mul3A_90, %dma_start3A_93] : memref<2x32x80x125xi32, #tpu.memory_space<hbm>> -> memref<1x1x40x125xi32, #tpu.memory_space<hbm>>
          %dma_start3A_95 = tpu.memref_squeeze %dma_start3A_94 : memref<1x1x40x125xi32, #tpu.memory_space<hbm>> -> memref<40x125xi32, #tpu.memory_space<hbm>>
          %dma_start3A_96 = arith.constant 0 : i32
          %dma_start3A_97 = tpu.memref_slice %arg3[%run_scoped3A_91, %add3A, %mul3A_90, %dma_start3A_96] : memref<2x32x80x125xi32, #tpu.memory_space<hbm>> -> memref<1x1x40x125xi32, #tpu.memory_space<hbm>>
          %dma_start3A_98 = tpu.memref_squeeze %dma_start3A_97 : memref<1x1x40x125xi32, #tpu.memory_space<hbm>> -> memref<40x125xi32, #tpu.memory_space<hbm>>
          tpu.enqueue_dma source(%dma_start3A_98 : memref<40x125xi32, #tpu.memory_space<hbm>>) target(%arg8 : memref<40x125xi32, #tpu.memory_space<vmem>>) target_semaphore(%run_scoped3A_92 : memref<!tpu.dma_semaphore, #tpu.memory_space<semaphore_mem>>)
          %dma_wait3A_99 = arith.constant 0 : i32
          %dma_wait3A_100 = tpu.memref_slice %arg3[%run_scoped3A_91, %add3A, %mul3A_90, %dma_wait3A_99] : memref<2x32x80x125xi32, #tpu.memory_space<hbm>> -> memref<1x1x40x125xi32, #tpu.memory_space<hbm>>
          %dma_wait3A_101 = tpu.memref_squeeze %dma_wait3A_100 : memref<1x1x40x125xi32, #tpu.memory_space<hbm>> -> memref<40x125xi32, #tpu.memory_space<hbm>>
          %dma_wait3A_102 = arith.constant 0 : i32
          %dma_wait3A_103 = tpu.memref_slice %arg3[%run_scoped3A_91, %add3A, %mul3A_90, %dma_wait3A_102] : memref<2x32x80x125xi32, #tpu.memory_space<hbm>> -> memref<1x1x40x125xi32, #tpu.memory_space<hbm>>
          %dma_wait3A_104 = tpu.memref_squeeze %dma_wait3A_103 : memref<1x1x40x125xi32, #tpu.memory_space<hbm>> -> memref<40x125xi32, #tpu.memory_space<hbm>>
          tpu.wait_dma2 semaphore(%run_scoped3A_92 : memref<!tpu.dma_semaphore, #tpu.memory_space<semaphore_mem>>) src(%dma_wait3A_104 : memref<40x125xi32, #tpu.memory_space<hbm>>) dst(%arg8 : memref<40x125xi32, #tpu.memory_space<vmem>>)
          tpu.yield
        }) : () -> ()
      } else {
      }
      %dma_start3A_69 = arith.constant 0 : i32
      %dma_start3A_70 = arith.constant 0 : i32
      %dma_start3A_71 = tpu.memref_slice %arg7[%dma_start3A_69, %dma_start3A_70] : memref<40x125xi32, #tpu.memory_space<vmem>> -> memref<1x125xi32, #tpu.memory_space<vmem>>
      %dma_start3A_72 = tpu.memref_squeeze %dma_start3A_71 : memref<1x125xi32, #tpu.memory_space<vmem>> -> memref<125xi32, #tpu.memory_space<vmem>>
      %dma_start3A_73 = arith.constant 0 : i32
      %dma_start3A_74 = arith.constant 0 : i32
      %dma_start3A_75 = tpu.memref_slice %arg2[%dma_start3A_73, %dma_start3A_74] : memref<10000x128xf32, #tpu.memory_space<hbm>> -> memref<10000x128xf32, #tpu.memory_space<hbm>>
      tpu.enqueue_indirect_dma source(%dma_start3A_75 : memref<10000x128xf32, #tpu.memory_space<hbm>>) target(%arg9 : memref<125x128xf32, #tpu.memory_space<vmem>>) offsets(%dma_start3A_72 : memref<125xi32, #tpu.memory_space<vmem>>) semaphore(%arg12 : memref<!tpu.dma_semaphore, #tpu.memory_space<semaphore_mem>>)
      %eq3A_76 = arith.constant 0 : i32
      %eq3A_77 = arith.cmpi eq, %scan3A_64, %eq3A_76 : i32
      %convert_element_type3A_78 = arith.extui %eq3A_77 : i1 to i32
      %cond3A_79 = arith.constant 0 : i32
      %cond3A_80 = arith.cmpi ne, %convert_element_type3A_78, %cond3A_79 : i32
      scf.if %cond3A_80 {
        %run_scoped3A = arith.constant 0 : i32
        "tpu.region"() ({
          %run_scoped3A_94 = tpu.sem_alloc : memref<!tpu.dma_semaphore, #tpu.memory_space<semaphore_mem>>
          %dma_start3A_95 = arith.constant 0 : i32
          %dma_start3A_96 = tpu.memref_slice %arg8[%run_scoped3A, %dma_start3A_95] : memref<40x125xi32, #tpu.memory_space<vmem>> -> memref<1x125xi32, #tpu.memory_space<vmem>>
          %dma_start3A_97 = tpu.memref_squeeze %dma_start3A_96 : memref<1x125xi32, #tpu.memory_space<vmem>> -> memref<125xi32, #tpu.memory_space<vmem>>
          %dma_start3A_98 = arith.constant 0 : i32
          %dma_start3A_99 = arith.constant 0 : i32
          %dma_start3A_100 = tpu.memref_slice %arg4[%dma_start3A_98, %dma_start3A_99] : memref<10000x128xf32, #tpu.memory_space<hbm>> -> memref<10000x128xf32, #tpu.memory_space<hbm>>
          tpu.enqueue_indirect_dma source(%dma_start3A_100 : memref<10000x128xf32, #tpu.memory_space<hbm>>) target(%arg10 : memref<125x128xf32, #tpu.memory_space<vmem>>) offsets(%dma_start3A_97 : memref<125xi32, #tpu.memory_space<vmem>>) semaphore(%run_scoped3A_94 : memref<!tpu.dma_semaphore, #tpu.memory_space<semaphore_mem>>)
          %dma_wait3A_101 = arith.constant 0 : i32
          %dma_wait3A_102 = tpu.memref_slice %arg8[%run_scoped3A, %dma_wait3A_101] : memref<40x125xi32, #tpu.memory_space<vmem>> -> memref<1x125xi32, #tpu.memory_space<vmem>>
          %dma_wait3A_103 = tpu.memref_squeeze %dma_wait3A_102 : memref<1x125xi32, #tpu.memory_space<vmem>> -> memref<125xi32, #tpu.memory_space<vmem>>
          %dma_wait3A_104 = arith.constant 0 : i32
          %dma_wait3A_105 = arith.constant 0 : i32
          %dma_wait3A_106 = tpu.memref_slice %arg4[%dma_wait3A_104, %dma_wait3A_105] : memref<10000x128xf32, #tpu.memory_space<hbm>> -> memref<10000x128xf32, #tpu.memory_space<hbm>>
          tpu.wait_indirect_dma semaphore(%run_scoped3A_94 : memref<!tpu.dma_semaphore, #tpu.memory_space<semaphore_mem>>) src(%dma_wait3A_106 : memref<10000x128xf32, #tpu.memory_space<hbm>>) dst(%arg10 : memref<125x128xf32, #tpu.memory_space<vmem>>)
          tpu.yield
        }) : () -> ()
        %dma_start3A_87 = arith.constant 0 : i32
        %dma_start3A_88 = arith.constant 0 : i32
        %dma_start3A_89 = tpu.memref_slice %arg8[%dma_start3A_87, %dma_start3A_88] : memref<40x125xi32, #tpu.memory_space<vmem>> -> memref<1x125xi32, #tpu.memory_space<vmem>>
        %dma_start3A_90 = tpu.memref_squeeze %dma_start3A_89 : memref<1x125xi32, #tpu.memory_space<vmem>> -> memref<125xi32, #tpu.memory_space<vmem>>
        %dma_start3A_91 = arith.constant 0 : i32
        %dma_start3A_92 = arith.constant 0 : i32
        %dma_start3A_93 = tpu.memref_slice %arg11[%dma_start3A_91, %dma_start3A_92] : memref<10000x128xf32, #tpu.memory_space<vmem_shared>> -> memref<10000x128xf32, #tpu.memory_space<vmem_shared>>
        tpu.enqueue_indirect_dma source(%arg10 : memref<125x128xf32, #tpu.memory_space<vmem>>) target(%dma_start3A_93 : memref<10000x128xf32, #tpu.memory_space<vmem_shared>>) offsets(%dma_start3A_90 : memref<125xi32, #tpu.memory_space<vmem>>) semaphore(%arg15 : memref<!tpu.dma_semaphore, #tpu.memory_space<semaphore_mem>>) {add = true}
      } else {
      }
      %scan3A_81 = arith.constant 0 : i32
      %scan3A_82 = arith.constant 0 : i32
      %scan3A_83 = arith.constant 20 : i32
      %scan3A_84 = arith.addi %scan3A_82, %scan3A_83 : i32
      %scan3A_85 = arith.constant 1 : i32
      scf.for %scan3A_87 = %scan3A_82 to %scan3A_84 step %scan3A_85  : i32 {
        %mul3A_88 = arith.constant 2 : i32
        %mul3A_89 = arith.muli %scan3A_87, %mul3A_88 : i32
        %dma_wait3A_90 = arith.constant 0 : i32
        %dma_wait3A_91 = tpu.memref_slice %arg7[%mul3A_89, %dma_wait3A_90] : memref<40x125xi32, #tpu.memory_space<vmem>> -> memref<1x125xi32, #tpu.memory_space<vmem>>
        %dma_wait3A_92 = tpu.memref_squeeze %dma_wait3A_91 : memref<1x125xi32, #tpu.memory_space<vmem>> -> memref<125xi32, #tpu.memory_space<vmem>>
        %dma_wait3A_93 = arith.constant 0 : i32
        %dma_wait3A_94 = arith.constant 0 : i32
        %dma_wait3A_95 = tpu.memref_slice %arg2[%dma_wait3A_93, %dma_wait3A_94] : memref<10000x128xf32, #tpu.memory_space<hbm>> -> memref<10000x128xf32, #tpu.memory_space<hbm>>
        tpu.wait_indirect_dma semaphore(%arg12 : memref<!tpu.dma_semaphore, #tpu.memory_space<semaphore_mem>>) src(%dma_wait3A_95 : memref<10000x128xf32, #tpu.memory_space<hbm>>) dst(%arg9 : memref<125x128xf32, #tpu.memory_space<vmem>>)
        %dma_start3A_96 = arith.constant 0 : i32
        %dma_start3A_97 = tpu.memref_slice %arg8[%mul3A_89, %dma_start3A_96] : memref<40x125xi32, #tpu.memory_space<vmem>> -> memref<1x125xi32, #tpu.memory_space<vmem>>
        %dma_start3A_98 = tpu.memref_squeeze %dma_start3A_97 : memref<1x125xi32, #tpu.memory_space<vmem>> -> memref<125xi32, #tpu.memory_space<vmem>>
        %dma_start3A_99 = arith.constant 0 : i32
        %dma_start3A_100 = arith.constant 0 : i32
        %dma_start3A_101 = tpu.memref_slice %arg11[%dma_start3A_99, %dma_start3A_100] : memref<10000x128xf32, #tpu.memory_space<vmem_shared>> -> memref<10000x128xf32, #tpu.memory_space<vmem_shared>>
        tpu.enqueue_indirect_dma source(%arg9 : memref<125x128xf32, #tpu.memory_space<vmem>>) target(%dma_start3A_101 : memref<10000x128xf32, #tpu.memory_space<vmem_shared>>) offsets(%dma_start3A_98 : memref<125xi32, #tpu.memory_space<vmem>>) semaphore(%arg14 : memref<!tpu.dma_semaphore, #tpu.memory_space<semaphore_mem>>) {add = true}
        %dma_wait3A_102 = arith.constant 0 : i32
        %dma_wait3A_103 = tpu.memref_slice %arg8[%mul3A_89, %dma_wait3A_102] : memref<40x125xi32, #tpu.memory_space<vmem>> -> memref<1x125xi32, #tpu.memory_space<vmem>>
        %dma_wait3A_104 = tpu.memref_squeeze %dma_wait3A_103 : memref<1x125xi32, #tpu.memory_space<vmem>> -> memref<125xi32, #tpu.memory_space<vmem>>
        %dma_wait3A_105 = arith.constant 0 : i32
        %dma_wait3A_106 = arith.constant 0 : i32
        %dma_wait3A_107 = tpu.memref_slice %arg11[%dma_wait3A_105, %dma_wait3A_106] : memref<10000x128xf32, #tpu.memory_space<vmem_shared>> -> memref<10000x128xf32, #tpu.memory_space<vmem_shared>>
        tpu.wait_indirect_dma semaphore(%arg15 : memref<!tpu.dma_semaphore, #tpu.memory_space<semaphore_mem>>) src(%arg10 : memref<125x128xf32, #tpu.memory_space<vmem>>) dst(%dma_wait3A_107 : memref<10000x128xf32, #tpu.memory_space<vmem_shared>>)
        %add3A_108 = arith.constant 1 : i32
        %add3A_109 = arith.addi %mul3A_89, %add3A_108 : i32
        %dma_start3A_110 = arith.constant 0 : i32
        %dma_start3A_111 = tpu.memref_slice %arg7[%add3A_109, %dma_start3A_110] : memref<40x125xi32, #tpu.memory_space<vmem>> -> memref<1x125xi32, #tpu.memory_space<vmem>>
        %dma_start3A_112 = tpu.memref_squeeze %dma_start3A_111 : memref<1x125xi32, #tpu.memory_space<vmem>> -> memref<125xi32, #tpu.memory_space<vmem>>
        %dma_start3A_113 = arith.constant 0 : i32
        %dma_start3A_114 = arith.constant 0 : i32
        %dma_start3A_115 = tpu.memref_slice %arg2[%dma_start3A_113, %dma_start3A_114] : memref<10000x128xf32, #tpu.memory_space<hbm>> -> memref<10000x128xf32, #tpu.memory_space<hbm>>
        tpu.enqueue_indirect_dma source(%dma_start3A_115 : memref<10000x128xf32, #tpu.memory_space<hbm>>) target(%arg10 : memref<125x128xf32, #tpu.memory_space<vmem>>) offsets(%dma_start3A_112 : memref<125xi32, #tpu.memory_space<vmem>>) semaphore(%arg13 : memref<!tpu.dma_semaphore, #tpu.memory_space<semaphore_mem>>)
        %add3A_116 = arith.constant 1 : i32
        %add3A_117 = arith.addi %mul3A_89, %add3A_116 : i32
        %dma_wait3A_118 = arith.constant 0 : i32
        %dma_wait3A_119 = tpu.memref_slice %arg7[%add3A_117, %dma_wait3A_118] : memref<40x125xi32, #tpu.memory_space<vmem>> -> memref<1x125xi32, #tpu.memory_space<vmem>>
        %dma_wait3A_120 = tpu.memref_squeeze %dma_wait3A_119 : memref<1x125xi32, #tpu.memory_space<vmem>> -> memref<125xi32, #tpu.memory_space<vmem>>
        %dma_wait3A_121 = arith.constant 0 : i32
        %dma_wait3A_122 = arith.constant 0 : i32
        %dma_wait3A_123 = tpu.memref_slice %arg2[%dma_wait3A_121, %dma_wait3A_122] : memref<10000x128xf32, #tpu.memory_space<hbm>> -> memref<10000x128xf32, #tpu.memory_space<hbm>>
        tpu.wait_indirect_dma semaphore(%arg13 : memref<!tpu.dma_semaphore, #tpu.memory_space<semaphore_mem>>) src(%dma_wait3A_123 : memref<10000x128xf32, #tpu.memory_space<hbm>>) dst(%arg10 : memref<125x128xf32, #tpu.memory_space<vmem>>)
        %add3A_124 = arith.constant 1 : i32
        %add3A_125 = arith.addi %mul3A_89, %add3A_124 : i32
        %dma_start3A_126 = arith.constant 0 : i32
        %dma_start3A_127 = tpu.memref_slice %arg8[%add3A_125, %dma_start3A_126] : memref<40x125xi32, #tpu.memory_space<vmem>> -> memref<1x125xi32, #tpu.memory_space<vmem>>
        %dma_start3A_128 = tpu.memref_squeeze %dma_start3A_127 : memref<1x125xi32, #tpu.memory_space<vmem>> -> memref<125xi32, #tpu.memory_space<vmem>>
        %dma_start3A_129 = arith.constant 0 : i32
        %dma_start3A_130 = arith.constant 0 : i32
        %dma_start3A_131 = tpu.memref_slice %arg11[%dma_start3A_129, %dma_start3A_130] : memref<10000x128xf32, #tpu.memory_space<vmem_shared>> -> memref<10000x128xf32, #tpu.memory_space<vmem_shared>>
        tpu.enqueue_indirect_dma source(%arg10 : memref<125x128xf32, #tpu.memory_space<vmem>>) target(%dma_start3A_131 : memref<10000x128xf32, #tpu.memory_space<vmem_shared>>) offsets(%dma_start3A_128 : memref<125xi32, #tpu.memory_space<vmem>>) semaphore(%arg15 : memref<!tpu.dma_semaphore, #tpu.memory_space<semaphore_mem>>) {add = true}
        %dma_wait3A_132 = arith.constant 0 : i32
        %dma_wait3A_133 = tpu.memref_slice %arg8[%mul3A_89, %dma_wait3A_132] : memref<40x125xi32, #tpu.memory_space<vmem>> -> memref<1x125xi32, #tpu.memory_space<vmem>>
        %dma_wait3A_134 = tpu.memref_squeeze %dma_wait3A_133 : memref<1x125xi32, #tpu.memory_space<vmem>> -> memref<125xi32, #tpu.memory_space<vmem>>
        %dma_wait3A_135 = arith.constant 0 : i32
        %dma_wait3A_136 = arith.constant 0 : i32
        %dma_wait3A_137 = tpu.memref_slice %arg11[%dma_wait3A_135, %dma_wait3A_136] : memref<10000x128xf32, #tpu.memory_space<vmem_shared>> -> memref<10000x128xf32, #tpu.memory_space<vmem_shared>>
        tpu.wait_indirect_dma semaphore(%arg14 : memref<!tpu.dma_semaphore, #tpu.memory_space<semaphore_mem>>) src(%arg9 : memref<125x128xf32, #tpu.memory_space<vmem>>) dst(%dma_wait3A_137 : memref<10000x128xf32, #tpu.memory_space<vmem_shared>>)
        %add3A_138 = arith.constant 2 : i32
        %add3A_139 = arith.addi %mul3A_89, %add3A_138 : i32
        %lt3A = arith.constant 40 : i32
        %lt3A_140 = arith.cmpi slt, %add3A_139, %lt3A : i32
        %convert_element_type3A_141 = arith.extui %lt3A_140 : i1 to i32
        %cond3A_142 = arith.constant 0 : i32
        %cond3A_143 = arith.cmpi ne, %convert_element_type3A_141, %cond3A_142 : i32
        scf.if %cond3A_143 {
          %add3A_144 = arith.constant 2 : i32
          %add3A_145 = arith.addi %mul3A_89, %add3A_144 : i32
          %dma_start3A_146 = arith.constant 0 : i32
          %dma_start3A_147 = tpu.memref_slice %arg7[%add3A_145, %dma_start3A_146] : memref<40x125xi32, #tpu.memory_space<vmem>> -> memref<1x125xi32, #tpu.memory_space<vmem>>
          %dma_start3A_148 = tpu.memref_squeeze %dma_start3A_147 : memref<1x125xi32, #tpu.memory_space<vmem>> -> memref<125xi32, #tpu.memory_space<vmem>>
          %dma_start3A_149 = arith.constant 0 : i32
          %dma_start3A_150 = arith.constant 0 : i32
          %dma_start3A_151 = tpu.memref_slice %arg2[%dma_start3A_149, %dma_start3A_150] : memref<10000x128xf32, #tpu.memory_space<hbm>> -> memref<10000x128xf32, #tpu.memory_space<hbm>>
          tpu.enqueue_indirect_dma source(%dma_start3A_151 : memref<10000x128xf32, #tpu.memory_space<hbm>>) target(%arg9 : memref<125x128xf32, #tpu.memory_space<vmem>>) offsets(%dma_start3A_148 : memref<125xi32, #tpu.memory_space<vmem>>) semaphore(%arg12 : memref<!tpu.dma_semaphore, #tpu.memory_space<semaphore_mem>>)
        } else {
        }
      }
      %scan3A_86 = arith.constant 20 : i32
    }
    %scan3A_45 = arith.constant 2 : i32
    %dma_wait3A_46 = arith.constant 0 : i32
    %dma_wait3A_47 = arith.constant 0 : i32
    %dma_wait3A_48 = tpu.memref_slice %arg8[%dma_wait3A_46, %dma_wait3A_47] : memref<40x125xi32, #tpu.memory_space<vmem>> -> memref<1x125xi32, #tpu.memory_space<vmem>>
    %dma_wait3A_49 = tpu.memref_squeeze %dma_wait3A_48 : memref<1x125xi32, #tpu.memory_space<vmem>> -> memref<125xi32, #tpu.memory_space<vmem>>
    %dma_wait3A_50 = arith.constant 0 : i32
    %dma_wait3A_51 = arith.constant 0 : i32
    %dma_wait3A_52 = tpu.memref_slice %arg11[%dma_wait3A_50, %dma_wait3A_51] : memref<10000x128xf32, #tpu.memory_space<vmem_shared>> -> memref<10000x128xf32, #tpu.memory_space<vmem_shared>>
    tpu.wait_indirect_dma semaphore(%arg15 : memref<!tpu.dma_semaphore, #tpu.memory_space<semaphore_mem>>) src(%arg10 : memref<125x128xf32, #tpu.memory_space<vmem>>) dst(%dma_wait3A_52 : memref<10000x128xf32, #tpu.memory_space<vmem_shared>>)
    %barrier3A_53 = arith.constant 0 : index
    tpu.barrier barrier_id(%barrier3A_53)
    %eq3A_54 = arith.constant 0 : i32
    %eq3A_55 = arith.cmpi eq, %arg0, %eq3A_54 : i32
    %convert_element_type3A_56 = arith.extui %eq3A_55 : i1 to i32
    %cond3A_57 = arith.constant 0 : i32
    %cond3A_58 = arith.cmpi ne, %convert_element_type3A_56, %cond3A_57 : i32
    scf.if %cond3A_58 {
      %mul3A_64 = arith.constant 624 : i32
      %mul3A_65 = arith.muli %arg1, %mul3A_64 : i32
      %mul3A_66 = arith.constant 624 : i32
      %mul3A_67 = arith.muli %arg1, %mul3A_66 : i32
      "tpu.region"() ({
        %run_scoped3A = tpu.sem_alloc : memref<!tpu.dma_semaphore, #tpu.memory_space<semaphore_mem>>
        %dma_start3A_73 = arith.constant 0 : i32
        %dma_start3A_74 = tpu.memref_slice %arg5[%mul3A_67, %dma_start3A_73] : memref<10000x128xf32, #tpu.memory_space<hbm>> -> memref<624x128xf32, #tpu.memory_space<hbm>>
        %dma_start3A_75 = arith.constant 0 : i32
        %dma_start3A_76 = tpu.memref_slice %arg11[%mul3A_65, %dma_start3A_75] : memref<10000x128xf32, #tpu.memory_space<vmem_shared>> -> memref<624x128xf32, #tpu.memory_space<vmem_shared>>
        tpu.enqueue_dma source(%dma_start3A_76 : memref<624x128xf32, #tpu.memory_space<vmem_shared>>) target(%dma_start3A_74 : memref<624x128xf32, #tpu.memory_space<hbm>>) target_semaphore(%run_scoped3A : memref<!tpu.dma_semaphore, #tpu.memory_space<semaphore_mem>>)
        %dma_wait3A_77 = arith.constant 0 : i32
        %dma_wait3A_78 = tpu.memref_slice %arg5[%mul3A_67, %dma_wait3A_77] : memref<10000x128xf32, #tpu.memory_space<hbm>> -> memref<624x128xf32, #tpu.memory_space<hbm>>
        %dma_wait3A_79 = arith.constant 0 : i32
        %dma_wait3A_80 = tpu.memref_slice %arg11[%mul3A_65, %dma_wait3A_79] : memref<10000x128xf32, #tpu.memory_space<vmem_shared>> -> memref<624x128xf32, #tpu.memory_space<vmem_shared>>
        tpu.wait_dma2 semaphore(%run_scoped3A : memref<!tpu.dma_semaphore, #tpu.memory_space<semaphore_mem>>) src(%dma_wait3A_80 : memref<624x128xf32, #tpu.memory_space<vmem_shared>>) dst(%dma_wait3A_78 : memref<624x128xf32, #tpu.memory_space<hbm>>)
        tpu.yield
      }) : () -> ()
      %eq3A_68 = arith.constant 15 : i32
      %eq3A_69 = arith.cmpi eq, %arg1, %eq3A_68 : i32
      %convert_element_type3A_70 = arith.extui %eq3A_69 : i1 to i32
      %cond3A_71 = arith.constant 0 : i32
      %cond3A_72 = arith.cmpi ne, %convert_element_type3A_70, %cond3A_71 : i32
      scf.if %cond3A_72 {
        "tpu.region"() ({
          %run_scoped3A = tpu.sem_alloc : memref<!tpu.dma_semaphore, #tpu.memory_space<semaphore_mem>>
          %dma_start3A_73 = arith.constant 9984 : i32
          %dma_start3A_74 = arith.constant 0 : i32
          %dma_start3A_75 = tpu.memref_slice %arg5[%dma_start3A_73, %dma_start3A_74] : memref<10000x128xf32, #tpu.memory_space<hbm>> -> memref<16x128xf32, #tpu.memory_space<hbm>>
          %dma_start3A_76 = arith.constant 9984 : i32
          %dma_start3A_77 = arith.constant 0 : i32
          %dma_start3A_78 = tpu.memref_slice %arg11[%dma_start3A_76, %dma_start3A_77] : memref<10000x128xf32, #tpu.memory_space<vmem_shared>> -> memref<16x128xf32, #tpu.memory_space<vmem_shared>>
          tpu.enqueue_dma source(%dma_start3A_78 : memref<16x128xf32, #tpu.memory_space<vmem_shared>>) target(%dma_start3A_75 : memref<16x128xf32, #tpu.memory_space<hbm>>) target_semaphore(%run_scoped3A : memref<!tpu.dma_semaphore, #tpu.memory_space<semaphore_mem>>)
          %dma_wait3A_79 = arith.constant 9984 : i32
          %dma_wait3A_80 = arith.constant 0 : i32
          %dma_wait3A_81 = tpu.memref_slice %arg5[%dma_wait3A_79, %dma_wait3A_80] : memref<10000x128xf32, #tpu.memory_space<hbm>> -> memref<16x128xf32, #tpu.memory_space<hbm>>
          %dma_wait3A_82 = arith.constant 9984 : i32
          %dma_wait3A_83 = arith.constant 0 : i32
          %dma_wait3A_84 = tpu.memref_slice %arg11[%dma_wait3A_82, %dma_wait3A_83] : memref<10000x128xf32, #tpu.memory_space<vmem_shared>> -> memref<16x128xf32, #tpu.memory_space<vmem_shared>>
          tpu.wait_dma2 semaphore(%run_scoped3A : memref<!tpu.dma_semaphore, #tpu.memory_space<semaphore_mem>>) src(%dma_wait3A_84 : memref<16x128xf32, #tpu.memory_space<vmem_shared>>) dst(%dma_wait3A_81 : memref<16x128xf32, #tpu.memory_space<hbm>>)
          tpu.yield
        }) : () -> ()
      } else {
      }
    } else {
    }
    %eq3A_59 = arith.constant 1 : i32
    %eq3A_60 = arith.cmpi eq, %arg0, %eq3A_59 : i32
    %convert_element_type3A_61 = arith.extui %eq3A_60 : i1 to i32
    %cond3A_62 = arith.constant 0 : i32
    %cond3A_63 = arith.cmpi ne, %convert_element_type3A_61, %cond3A_62 : i32
    scf.if %cond3A_63 {
      %mul3A_64 = arith.constant 624 : i32
      %mul3A_65 = arith.muli %arg1, %mul3A_64 : i32
      %mul3A_66 = arith.constant 624 : i32
      %mul3A_67 = arith.muli %arg1, %mul3A_66 : i32
      "tpu.region"() ({
        %run_scoped3A = tpu.sem_alloc : memref<!tpu.dma_semaphore, #tpu.memory_space<semaphore_mem>>
        %dma_start3A_73 = arith.constant 0 : i32
        %dma_start3A_74 = tpu.memref_slice %arg6[%mul3A_67, %dma_start3A_73] : memref<10000x128xf32, #tpu.memory_space<hbm>> -> memref<624x128xf32, #tpu.memory_space<hbm>>
        %dma_start3A_75 = arith.constant 0 : i32
        %dma_start3A_76 = tpu.memref_slice %arg11[%mul3A_65, %dma_start3A_75] : memref<10000x128xf32, #tpu.memory_space<vmem_shared>> -> memref<624x128xf32, #tpu.memory_space<vmem_shared>>
        tpu.enqueue_dma source(%dma_start3A_76 : memref<624x128xf32, #tpu.memory_space<vmem_shared>>) target(%dma_start3A_74 : memref<624x128xf32, #tpu.memory_space<hbm>>) target_semaphore(%run_scoped3A : memref<!tpu.dma_semaphore, #tpu.memory_space<semaphore_mem>>)
        %dma_wait3A_77 = arith.constant 0 : i32
        %dma_wait3A_78 = tpu.memref_slice %arg6[%mul3A_67, %dma_wait3A_77] : memref<10000x128xf32, #tpu.memory_space<hbm>> -> memref<624x128xf32, #tpu.memory_space<hbm>>
        %dma_wait3A_79 = arith.constant 0 : i32
        %dma_wait3A_80 = tpu.memref_slice %arg11[%mul3A_65, %dma_wait3A_79] : memref<10000x128xf32, #tpu.memory_space<vmem_shared>> -> memref<624x128xf32, #tpu.memory_space<vmem_shared>>
        tpu.wait_dma2 semaphore(%run_scoped3A : memref<!tpu.dma_semaphore, #tpu.memory_space<semaphore_mem>>) src(%dma_wait3A_80 : memref<624x128xf32, #tpu.memory_space<vmem_shared>>) dst(%dma_wait3A_78 : memref<624x128xf32, #tpu.memory_space<hbm>>)
        tpu.yield
      }) : () -> ()
      %eq3A_68 = arith.constant 15 : i32
      %eq3A_69 = arith.cmpi eq, %arg1, %eq3A_68 : i32
      %convert_element_type3A_70 = arith.extui %eq3A_69 : i1 to i32
      %cond3A_71 = arith.constant 0 : i32
      %cond3A_72 = arith.cmpi ne, %convert_element_type3A_70, %cond3A_71 : i32
      scf.if %cond3A_72 {
        "tpu.region"() ({
          %run_scoped3A = tpu.sem_alloc : memref<!tpu.dma_semaphore, #tpu.memory_space<semaphore_mem>>
          %dma_start3A_73 = arith.constant 9984 : i32
          %dma_start3A_74 = arith.constant 0 : i32
          %dma_start3A_75 = tpu.memref_slice %arg6[%dma_start3A_73, %dma_start3A_74] : memref<10000x128xf32, #tpu.memory_space<hbm>> -> memref<16x128xf32, #tpu.memory_space<hbm>>
          %dma_start3A_76 = arith.constant 9984 : i32
          %dma_start3A_77 = arith.constant 0 : i32
          %dma_start3A_78 = tpu.memref_slice %arg11[%dma_start3A_76, %dma_start3A_77] : memref<10000x128xf32, #tpu.memory_space<vmem_shared>> -> memref<16x128xf32, #tpu.memory_space<vmem_shared>>
          tpu.enqueue_dma source(%dma_start3A_78 : memref<16x128xf32, #tpu.memory_space<vmem_shared>>) target(%dma_start3A_75 : memref<16x128xf32, #tpu.memory_space<hbm>>) target_semaphore(%run_scoped3A : memref<!tpu.dma_semaphore, #tpu.memory_space<semaphore_mem>>)
          %dma_wait3A_79 = arith.constant 9984 : i32
          %dma_wait3A_80 = arith.constant 0 : i32
          %dma_wait3A_81 = tpu.memref_slice %arg6[%dma_wait3A_79, %dma_wait3A_80] : memref<10000x128xf32, #tpu.memory_space<hbm>> -> memref<16x128xf32, #tpu.memory_space<hbm>>
          %dma_wait3A_82 = arith.constant 9984 : i32
          %dma_wait3A_83 = arith.constant 0 : i32
          %dma_wait3A_84 = tpu.memref_slice %arg11[%dma_wait3A_82, %dma_wait3A_83] : memref<10000x128xf32, #tpu.memory_space<vmem_shared>> -> memref<16x128xf32, #tpu.memory_space<vmem_shared>>
          tpu.wait_dma2 semaphore(%run_scoped3A : memref<!tpu.dma_semaphore, #tpu.memory_space<semaphore_mem>>) src(%dma_wait3A_84 : memref<16x128xf32, #tpu.memory_space<vmem_shared>>) dst(%dma_wait3A_81 : memref<16x128xf32, #tpu.memory_space<hbm>>)
          tpu.yield
        }) : () -> ()
      } else {
      }
    } else {
    }
    return
  }
}

#map = affine_map<(d0, d1) -> (0, 0)>
#map1 = affine_map<(d0, d1) -> (0, 0, 0, 0)>
module attributes {stable_mosaic.version = 14 : i64} {
  func.func @_sc_segment_sum(%arg0: i32, %arg1: i32, %arg2: memref<10000x128xf32, #tpu.memory_space<hbm>>, %arg3: memref<2x32x80x125xi32, #tpu.memory_space<hbm>>, %arg4: memref<10000x128xf32, #tpu.memory_space<hbm>>, %arg5: memref<10000x128xf32, #tpu.memory_space<hbm>>, %arg6: memref<10000x128xf32, #tpu.memory_space<hbm>>, %arg7: memref<40x125xi32, #tpu.memory_space<vmem>>, %arg8: memref<40x125xi32, #tpu.memory_space<vmem>>, %arg9: memref<125x128xf32, #tpu.memory_space<vmem>>, %arg10: memref<125x128xf32, #tpu.memory_space<vmem>>, %arg11: memref<10000x128xf32, #tpu.memory_space<vmem_shared>>, %arg12: memref<!tpu.dma_semaphore, #tpu.memory_space<semaphore_mem>>, %arg13: memref<!tpu.dma_semaphore, #tpu.memory_space<semaphore_mem>>, %arg14: memref<!tpu.dma_semaphore, #tpu.memory_space<semaphore_mem>>, %arg15: memref<!tpu.dma_semaphore, #tpu.memory_space<semaphore_mem>>) attributes {dimension_semantics = [#tpu.dimension_semantics<core_parallel>, #tpu.dimension_semantics<subcore_parallel>], iteration_bounds = array<i64: 2, 16>, scalar_prefetch = 0 : i64, scratch_operands = 9 : i64, tpu.core_type = #tpu.core_type<sc_vector_subcore>, window_params = [{transform_indices = #map}, {transform_indices = #map1}, {transform_indices = #map}, {transform_indices = #map}, {transform_indices = #map}]} {
    %mul3A = arith.constant 16 : i32
    %mul3A_0 = arith.muli %arg0, %mul3A : i32
    %add3A = arith.addi %mul3A_0, %arg1 : i32
    %dma_start3A = arith.constant 0 : i32
    %dma_start3A_1 = arith.constant 0 : i32
    %dma_start3A_2 = arith.constant 0 : i32
    %dma_start3A_3 = tpu.memref_slice %arg3[%dma_start3A, %add3A, %dma_start3A_1, %dma_start3A_2] : memref<2x32x80x125xi32, #tpu.memory_space<hbm>> -> memref<1x1x40x125xi32, #tpu.memory_space<hbm>>
    %dma_start3A_4 = tpu.memref_squeeze %dma_start3A_3 : memref<1x1x40x125xi32, #tpu.memory_space<hbm>> -> memref<40x125xi32, #tpu.memory_space<hbm>>
    %dma_start3A_5 = arith.constant 0 : i32
    %dma_start3A_6 = arith.constant 0 : i32
    %dma_start3A_7 = tpu.memref_slice %arg3[%dma_start3A, %add3A, %dma_start3A_5, %dma_start3A_6] : memref<2x32x80x125xi32, #tpu.memory_space<hbm>> -> memref<1x1x40x125xi32, #tpu.memory_space<hbm>>
    %dma_start3A_8 = tpu.memref_squeeze %dma_start3A_7 : memref<1x1x40x125xi32, #tpu.memory_space<hbm>> -> memref<40x125xi32, #tpu.memory_space<hbm>>
    tpu.enqueue_dma source(%dma_start3A_8 : memref<40x125xi32, #tpu.memory_space<hbm>>) target(%arg7 : memref<40x125xi32, #tpu.memory_space<vmem>>) target_semaphore(%arg12 : memref<!tpu.dma_semaphore, #tpu.memory_space<semaphore_mem>>)
    %dma_start3A_9 = arith.constant 1 : i32
    %dma_start3A_10 = arith.constant 0 : i32
    %dma_start3A_11 = arith.constant 0 : i32
    %dma_start3A_12 = tpu.memref_slice %arg3[%dma_start3A_9, %add3A, %dma_start3A_10, %dma_start3A_11] : memref<2x32x80x125xi32, #tpu.memory_space<hbm>> -> memref<1x1x40x125xi32, #tpu.memory_space<hbm>>
    %dma_start3A_13 = tpu.memref_squeeze %dma_start3A_12 : memref<1x1x40x125xi32, #tpu.memory_space<hbm>> -> memref<40x125xi32, #tpu.memory_space<hbm>>
    %dma_start3A_14 = arith.constant 0 : i32
    %dma_start3A_15 = arith.constant 0 : i32
    %dma_start3A_16 = tpu.memref_slice %arg3[%dma_start3A_9, %add3A, %dma_start3A_14, %dma_start3A_15] : memref<2x32x80x125xi32, #tpu.memory_space<hbm>> -> memref<1x1x40x125xi32, #tpu.memory_space<hbm>>
    %dma_start3A_17 = tpu.memref_squeeze %dma_start3A_16 : memref<1x1x40x125xi32, #tpu.memory_space<hbm>> -> memref<40x125xi32, #tpu.memory_space<hbm>>
    tpu.enqueue_dma source(%dma_start3A_17 : memref<40x125xi32, #tpu.memory_space<hbm>>) target(%arg8 : memref<40x125xi32, #tpu.memory_space<vmem>>) target_semaphore(%arg13 : memref<!tpu.dma_semaphore, #tpu.memory_space<semaphore_mem>>)
    %mul3A_18 = arith.constant 624 : i32
    %mul3A_19 = arith.muli %arg1, %mul3A_18 : i32
    %mul3A_20 = arith.constant 624 : i32
    %mul3A_21 = arith.muli %arg1, %mul3A_20 : i32
    "tpu.region"() ({
      %run_scoped3A = tpu.sem_alloc : memref<!tpu.dma_semaphore, #tpu.memory_space<semaphore_mem>>
      %dma_start3A_64 = arith.constant 0 : i32
      %dma_start3A_65 = tpu.memref_slice %arg11[%mul3A_21, %dma_start3A_64] : memref<10000x128xf32, #tpu.memory_space<vmem_shared>> -> memref<624x128xf32, #tpu.memory_space<vmem_shared>>
      %dma_start3A_66 = arith.constant 0 : i32
      %dma_start3A_67 = tpu.memref_slice %arg4[%mul3A_19, %dma_start3A_66] : memref<10000x128xf32, #tpu.memory_space<hbm>> -> memref<624x128xf32, #tpu.memory_space<hbm>>
      tpu.enqueue_dma source(%dma_start3A_67 : memref<624x128xf32, #tpu.memory_space<hbm>>) target(%dma_start3A_65 : memref<624x128xf32, #tpu.memory_space<vmem_shared>>) target_semaphore(%run_scoped3A : memref<!tpu.dma_semaphore, #tpu.memory_space<semaphore_mem>>)
      %dma_wait3A_68 = arith.constant 0 : i32
      %dma_wait3A_69 = tpu.memref_slice %arg11[%mul3A_21, %dma_wait3A_68] : memref<10000x128xf32, #tpu.memory_space<vmem_shared>> -> memref<624x128xf32, #tpu.memory_space<vmem_shared>>
      %dma_wait3A_70 = arith.constant 0 : i32
      %dma_wait3A_71 = tpu.memref_slice %arg4[%mul3A_19, %dma_wait3A_70] : memref<10000x128xf32, #tpu.memory_space<hbm>> -> memref<624x128xf32, #tpu.memory_space<hbm>>
      tpu.wait_dma2 semaphore(%run_scoped3A : memref<!tpu.dma_semaphore, #tpu.memory_space<semaphore_mem>>) src(%dma_wait3A_71 : memref<624x128xf32, #tpu.memory_space<hbm>>) dst(%dma_wait3A_69 : memref<624x128xf32, #tpu.memory_space<vmem_shared>>)
      tpu.yield
    }) : () -> ()
    %eq3A = arith.constant 15 : i32
    %eq3A_22 = arith.cmpi eq, %arg1, %eq3A : i32
    %convert_element_type3A = arith.extui %eq3A_22 : i1 to i32
    %cond3A = arith.constant 0 : i32
    %cond3A_23 = arith.cmpi ne, %convert_element_type3A, %cond3A : i32
    scf.if %cond3A_23 {
      "tpu.region"() ({
        %run_scoped3A = tpu.sem_alloc : memref<!tpu.dma_semaphore, #tpu.memory_space<semaphore_mem>>
        %dma_start3A_64 = arith.constant 9984 : i32
        %dma_start3A_65 = arith.constant 0 : i32
        %dma_start3A_66 = tpu.memref_slice %arg11[%dma_start3A_64, %dma_start3A_65] : memref<10000x128xf32, #tpu.memory_space<vmem_shared>> -> memref<16x128xf32, #tpu.memory_space<vmem_shared>>
        %dma_start3A_67 = arith.constant 9984 : i32
        %dma_start3A_68 = arith.constant 0 : i32
        %dma_start3A_69 = tpu.memref_slice %arg4[%dma_start3A_67, %dma_start3A_68] : memref<10000x128xf32, #tpu.memory_space<hbm>> -> memref<16x128xf32, #tpu.memory_space<hbm>>
        tpu.enqueue_dma source(%dma_start3A_69 : memref<16x128xf32, #tpu.memory_space<hbm>>) target(%dma_start3A_66 : memref<16x128xf32, #tpu.memory_space<vmem_shared>>) target_semaphore(%run_scoped3A : memref<!tpu.dma_semaphore, #tpu.memory_space<semaphore_mem>>)
        %dma_wait3A_70 = arith.constant 9984 : i32
        %dma_wait3A_71 = arith.constant 0 : i32
        %dma_wait3A_72 = tpu.memref_slice %arg11[%dma_wait3A_70, %dma_wait3A_71] : memref<10000x128xf32, #tpu.memory_space<vmem_shared>> -> memref<16x128xf32, #tpu.memory_space<vmem_shared>>
        %dma_wait3A_73 = arith.constant 9984 : i32
        %dma_wait3A_74 = arith.constant 0 : i32
        %dma_wait3A_75 = tpu.memref_slice %arg4[%dma_wait3A_73, %dma_wait3A_74] : memref<10000x128xf32, #tpu.memory_space<hbm>> -> memref<16x128xf32, #tpu.memory_space<hbm>>
        tpu.wait_dma2 semaphore(%run_scoped3A : memref<!tpu.dma_semaphore, #tpu.memory_space<semaphore_mem>>) src(%dma_wait3A_75 : memref<16x128xf32, #tpu.memory_space<hbm>>) dst(%dma_wait3A_72 : memref<16x128xf32, #tpu.memory_space<vmem_shared>>)
        tpu.yield
      }) : () -> ()
    } else {
    }
    %dma_wait3A = arith.constant 0 : i32
    %dma_wait3A_24 = arith.constant 0 : i32
    %dma_wait3A_25 = arith.constant 0 : i32
    %dma_wait3A_26 = tpu.memref_slice %arg3[%dma_wait3A, %add3A, %dma_wait3A_24, %dma_wait3A_25] : memref<2x32x80x125xi32, #tpu.memory_space<hbm>> -> memref<1x1x40x125xi32, #tpu.memory_space<hbm>>
    %dma_wait3A_27 = tpu.memref_squeeze %dma_wait3A_26 : memref<1x1x40x125xi32, #tpu.memory_space<hbm>> -> memref<40x125xi32, #tpu.memory_space<hbm>>
    %dma_wait3A_28 = arith.constant 0 : i32
    %dma_wait3A_29 = arith.constant 0 : i32
    %dma_wait3A_30 = tpu.memref_slice %arg3[%dma_wait3A, %add3A, %dma_wait3A_28, %dma_wait3A_29] : memref<2x32x80x125xi32, #tpu.memory_space<hbm>> -> memref<1x1x40x125xi32, #tpu.memory_space<hbm>>
    %dma_wait3A_31 = tpu.memref_squeeze %dma_wait3A_30 : memref<1x1x40x125xi32, #tpu.memory_space<hbm>> -> memref<40x125xi32, #tpu.memory_space<hbm>>
    tpu.wait_dma2 semaphore(%arg12 : memref<!tpu.dma_semaphore, #tpu.memory_space<semaphore_mem>>) src(%dma_wait3A_31 : memref<40x125xi32, #tpu.memory_space<hbm>>) dst(%arg7 : memref<40x125xi32, #tpu.memory_space<vmem>>)
    %dma_wait3A_32 = arith.constant 1 : i32
    %dma_wait3A_33 = arith.constant 0 : i32
    %dma_wait3A_34 = arith.constant 0 : i32
    %dma_wait3A_35 = tpu.memref_slice %arg3[%dma_wait3A_32, %add3A, %dma_wait3A_33, %dma_wait3A_34] : memref<2x32x80x125xi32, #tpu.memory_space<hbm>> -> memref<1x1x40x125xi32, #tpu.memory_space<hbm>>
    %dma_wait3A_36 = tpu.memref_squeeze %dma_wait3A_35 : memref<1x1x40x125xi32, #tpu.memory_space<hbm>> -> memref<40x125xi32, #tpu.memory_space<hbm>>
    %dma_wait3A_37 = arith.constant 0 : i32
    %dma_wait3A_38 = arith.constant 0 : i32
    %dma_wait3A_39 = tpu.memref_slice %arg3[%dma_wait3A_32, %add3A, %dma_wait3A_37, %dma_wait3A_38] : memref<2x32x80x125xi32, #tpu.memory_space<hbm>> -> memref<1x1x40x125xi32, #tpu.memory_space<hbm>>
    %dma_wait3A_40 = tpu.memref_squeeze %dma_wait3A_39 : memref<1x1x40x125xi32, #tpu.memory_space<hbm>> -> memref<40x125xi32, #tpu.memory_space<hbm>>
    tpu.wait_dma2 semaphore(%arg13 : memref<!tpu.dma_semaphore, #tpu.memory_space<semaphore_mem>>) src(%dma_wait3A_40 : memref<40x125xi32, #tpu.memory_space<hbm>>) dst(%arg8 : memref<40x125xi32, #tpu.memory_space<vmem>>)
    %barrier3A = arith.constant 0 : index
    tpu.barrier barrier_id(%barrier3A)
    %scan3A = arith.constant 0 : i32
    %scan3A_41 = arith.constant 0 : i32
    %scan3A_42 = arith.constant 2 : i32
    %scan3A_43 = arith.addi %scan3A_41, %scan3A_42 : i32
    %scan3A_44 = arith.constant 1 : i32
    scf.for %scan3A_64 = %scan3A_41 to %scan3A_43 step %scan3A_44  : i32 {
      %gt3A = arith.constant 0 : i32
      %gt3A_65 = arith.cmpi sgt, %scan3A_64, %gt3A : i32
      %convert_element_type3A_66 = arith.extui %gt3A_65 : i1 to i32
      %cond3A_67 = arith.constant 0 : i32
      %cond3A_68 = arith.cmpi ne, %convert_element_type3A_66, %cond3A_67 : i32
      scf.if %cond3A_68 {
        %mul3A_87 = arith.constant 40 : i32
        %mul3A_88 = arith.muli %scan3A_64, %mul3A_87 : i32
        %run_scoped3A = arith.constant 0 : i32
        "tpu.region"() ({
          %run_scoped3A_92 = tpu.sem_alloc : memref<!tpu.dma_semaphore, #tpu.memory_space<semaphore_mem>>
          %dma_start3A_93 = arith.constant 0 : i32
          %dma_start3A_94 = tpu.memref_slice %arg3[%run_scoped3A, %add3A, %mul3A_88, %dma_start3A_93] : memref<2x32x80x125xi32, #tpu.memory_space<hbm>> -> memref<1x1x40x125xi32, #tpu.memory_space<hbm>>
          %dma_start3A_95 = tpu.memref_squeeze %dma_start3A_94 : memref<1x1x40x125xi32, #tpu.memory_space<hbm>> -> memref<40x125xi32, #tpu.memory_space<hbm>>
          %dma_start3A_96 = arith.constant 0 : i32
          %dma_start3A_97 = tpu.memref_slice %arg3[%run_scoped3A, %add3A, %mul3A_88, %dma_start3A_96] : memref<2x32x80x125xi32, #tpu.memory_space<hbm>> -> memref<1x1x40x125xi32, #tpu.memory_space<hbm>>
          %dma_start3A_98 = tpu.memref_squeeze %dma_start3A_97 : memref<1x1x40x125xi32, #tpu.memory_space<hbm>> -> memref<40x125xi32, #tpu.memory_space<hbm>>
          tpu.enqueue_dma source(%dma_start3A_98 : memref<40x125xi32, #tpu.memory_space<hbm>>) target(%arg7 : memref<40x125xi32, #tpu.memory_space<vmem>>) target_semaphore(%run_scoped3A_92 : memref<!tpu.dma_semaphore, #tpu.memory_space<semaphore_mem>>)
          %dma_wait3A_99 = arith.constant 0 : i32
          %dma_wait3A_100 = tpu.memref_slice %arg3[%run_scoped3A, %add3A, %mul3A_88, %dma_wait3A_99] : memref<2x32x80x125xi32, #tpu.memory_space<hbm>> -> memref<1x1x40x125xi32, #tpu.memory_space<hbm>>
          %dma_wait3A_101 = tpu.memref_squeeze %dma_wait3A_100 : memref<1x1x40x125xi32, #tpu.memory_space<hbm>> -> memref<40x125xi32, #tpu.memory_space<hbm>>
          %dma_wait3A_102 = arith.constant 0 : i32
          %dma_wait3A_103 = tpu.memref_slice %arg3[%run_scoped3A, %add3A, %mul3A_88, %dma_wait3A_102] : memref<2x32x80x125xi32, #tpu.memory_space<hbm>> -> memref<1x1x40x125xi32, #tpu.memory_space<hbm>>
          %dma_wait3A_104 = tpu.memref_squeeze %dma_wait3A_103 : memref<1x1x40x125xi32, #tpu.memory_space<hbm>> -> memref<40x125xi32, #tpu.memory_space<hbm>>
          tpu.wait_dma2 semaphore(%run_scoped3A_92 : memref<!tpu.dma_semaphore, #tpu.memory_space<semaphore_mem>>) src(%dma_wait3A_104 : memref<40x125xi32, #tpu.memory_space<hbm>>) dst(%arg7 : memref<40x125xi32, #tpu.memory_space<vmem>>)
          tpu.yield
        }) : () -> ()
        %mul3A_89 = arith.constant 40 : i32
        %mul3A_90 = arith.muli %scan3A_64, %mul3A_89 : i32
        %run_scoped3A_91 = arith.constant 1 : i32
        "tpu.region"() ({
          %run_scoped3A_92 = tpu.sem_alloc : memref<!tpu.dma_semaphore, #tpu.memory_space<semaphore_mem>>
          %dma_start3A_93 = arith.constant 0 : i32
          %dma_start3A_94 = tpu.memref_slice %arg3[%run_scoped3A_91, %add3A, %mul3A_90, %dma_start3A_93] : memref<2x32x80x125xi32, #tpu.memory_space<hbm>> -> memref<1x1x40x125xi32, #tpu.memory_space<hbm>>
          %dma_start3A_95 = tpu.memref_squeeze %dma_start3A_94 : memref<1x1x40x125xi32, #tpu.memory_space<hbm>> -> memref<40x125xi32, #tpu.memory_space<hbm>>
          %dma_start3A_96 = arith.constant 0 : i32
          %dma_start3A_97 = tpu.memref_slice %arg3[%run_scoped3A_91, %add3A, %mul3A_90, %dma_start3A_96] : memref<2x32x80x125xi32, #tpu.memory_space<hbm>> -> memref<1x1x40x125xi32, #tpu.memory_space<hbm>>
          %dma_start3A_98 = tpu.memref_squeeze %dma_start3A_97 : memref<1x1x40x125xi32, #tpu.memory_space<hbm>> -> memref<40x125xi32, #tpu.memory_space<hbm>>
          tpu.enqueue_dma source(%dma_start3A_98 : memref<40x125xi32, #tpu.memory_space<hbm>>) target(%arg8 : memref<40x125xi32, #tpu.memory_space<vmem>>) target_semaphore(%run_scoped3A_92 : memref<!tpu.dma_semaphore, #tpu.memory_space<semaphore_mem>>)
          %dma_wait3A_99 = arith.constant 0 : i32
          %dma_wait3A_100 = tpu.memref_slice %arg3[%run_scoped3A_91, %add3A, %mul3A_90, %dma_wait3A_99] : memref<2x32x80x125xi32, #tpu.memory_space<hbm>> -> memref<1x1x40x125xi32, #tpu.memory_space<hbm>>
          %dma_wait3A_101 = tpu.memref_squeeze %dma_wait3A_100 : memref<1x1x40x125xi32, #tpu.memory_space<hbm>> -> memref<40x125xi32, #tpu.memory_space<hbm>>
          %dma_wait3A_102 = arith.constant 0 : i32
          %dma_wait3A_103 = tpu.memref_slice %arg3[%run_scoped3A_91, %add3A, %mul3A_90, %dma_wait3A_102] : memref<2x32x80x125xi32, #tpu.memory_space<hbm>> -> memref<1x1x40x125xi32, #tpu.memory_space<hbm>>
          %dma_wait3A_104 = tpu.memref_squeeze %dma_wait3A_103 : memref<1x1x40x125xi32, #tpu.memory_space<hbm>> -> memref<40x125xi32, #tpu.memory_space<hbm>>
          tpu.wait_dma2 semaphore(%run_scoped3A_92 : memref<!tpu.dma_semaphore, #tpu.memory_space<semaphore_mem>>) src(%dma_wait3A_104 : memref<40x125xi32, #tpu.memory_space<hbm>>) dst(%arg8 : memref<40x125xi32, #tpu.memory_space<vmem>>)
          tpu.yield
        }) : () -> ()
      } else {
      }
      %dma_start3A_69 = arith.constant 0 : i32
      %dma_start3A_70 = arith.constant 0 : i32
      %dma_start3A_71 = tpu.memref_slice %arg7[%dma_start3A_69, %dma_start3A_70] : memref<40x125xi32, #tpu.memory_space<vmem>> -> memref<1x125xi32, #tpu.memory_space<vmem>>
      %dma_start3A_72 = tpu.memref_squeeze %dma_start3A_71 : memref<1x125xi32, #tpu.memory_space<vmem>> -> memref<125xi32, #tpu.memory_space<vmem>>
      %dma_start3A_73 = arith.constant 0 : i32
      %dma_start3A_74 = arith.constant 0 : i32
      %dma_start3A_75 = tpu.memref_slice %arg2[%dma_start3A_73, %dma_start3A_74] : memref<10000x128xf32, #tpu.memory_space<hbm>> -> memref<10000x128xf32, #tpu.memory_space<hbm>>
      tpu.enqueue_indirect_dma source(%dma_start3A_75 : memref<10000x128xf32, #tpu.memory_space<hbm>>) target(%arg9 : memref<125x128xf32, #tpu.memory_space<vmem>>) offsets(%dma_start3A_72 : memref<125xi32, #tpu.memory_space<vmem>>) semaphore(%arg12 : memref<!tpu.dma_semaphore, #tpu.memory_space<semaphore_mem>>)
      %eq3A_76 = arith.constant 0 : i32
      %eq3A_77 = arith.cmpi eq, %scan3A_64, %eq3A_76 : i32
      %convert_element_type3A_78 = arith.extui %eq3A_77 : i1 to i32
      %cond3A_79 = arith.constant 0 : i32
      %cond3A_80 = arith.cmpi ne, %convert_element_type3A_78, %cond3A_79 : i32
      scf.if %cond3A_80 {
        %run_scoped3A = arith.constant 0 : i32
        "tpu.region"() ({
          %run_scoped3A_94 = tpu.sem_alloc : memref<!tpu.dma_semaphore, #tpu.memory_space<semaphore_mem>>
          %dma_start3A_95 = arith.constant 0 : i32
          %dma_start3A_96 = tpu.memref_slice %arg8[%run_scoped3A, %dma_start3A_95] : memref<40x125xi32, #tpu.memory_space<vmem>> -> memref<1x125xi32, #tpu.memory_space<vmem>>
          %dma_start3A_97 = tpu.memref_squeeze %dma_start3A_96 : memref<1x125xi32, #tpu.memory_space<vmem>> -> memref<125xi32, #tpu.memory_space<vmem>>
          %dma_start3A_98 = arith.constant 0 : i32
          %dma_start3A_99 = arith.constant 0 : i32
          %dma_start3A_100 = tpu.memref_slice %arg4[%dma_start3A_98, %dma_start3A_99] : memref<10000x128xf32, #tpu.memory_space<hbm>> -> memref<10000x128xf32, #tpu.memory_space<hbm>>
          tpu.enqueue_indirect_dma source(%dma_start3A_100 : memref<10000x128xf32, #tpu.memory_space<hbm>>) target(%arg10 : memref<125x128xf32, #tpu.memory_space<vmem>>) offsets(%dma_start3A_97 : memref<125xi32, #tpu.memory_space<vmem>>) semaphore(%run_scoped3A_94 : memref<!tpu.dma_semaphore, #tpu.memory_space<semaphore_mem>>)
          %dma_wait3A_101 = arith.constant 0 : i32
          %dma_wait3A_102 = tpu.memref_slice %arg8[%run_scoped3A, %dma_wait3A_101] : memref<40x125xi32, #tpu.memory_space<vmem>> -> memref<1x125xi32, #tpu.memory_space<vmem>>
          %dma_wait3A_103 = tpu.memref_squeeze %dma_wait3A_102 : memref<1x125xi32, #tpu.memory_space<vmem>> -> memref<125xi32, #tpu.memory_space<vmem>>
          %dma_wait3A_104 = arith.constant 0 : i32
          %dma_wait3A_105 = arith.constant 0 : i32
          %dma_wait3A_106 = tpu.memref_slice %arg4[%dma_wait3A_104, %dma_wait3A_105] : memref<10000x128xf32, #tpu.memory_space<hbm>> -> memref<10000x128xf32, #tpu.memory_space<hbm>>
          tpu.wait_indirect_dma semaphore(%run_scoped3A_94 : memref<!tpu.dma_semaphore, #tpu.memory_space<semaphore_mem>>) src(%dma_wait3A_106 : memref<10000x128xf32, #tpu.memory_space<hbm>>) dst(%arg10 : memref<125x128xf32, #tpu.memory_space<vmem>>)
          tpu.yield
        }) : () -> ()
        %dma_start3A_87 = arith.constant 0 : i32
        %dma_start3A_88 = arith.constant 0 : i32
        %dma_start3A_89 = tpu.memref_slice %arg8[%dma_start3A_87, %dma_start3A_88] : memref<40x125xi32, #tpu.memory_space<vmem>> -> memref<1x125xi32, #tpu.memory_space<vmem>>
        %dma_start3A_90 = tpu.memref_squeeze %dma_start3A_89 : memref<1x125xi32, #tpu.memory_space<vmem>> -> memref<125xi32, #tpu.memory_space<vmem>>
        %dma_start3A_91 = arith.constant 0 : i32
        %dma_start3A_92 = arith.constant 0 : i32
        %dma_start3A_93 = tpu.memref_slice %arg11[%dma_start3A_91, %dma_start3A_92] : memref<10000x128xf32, #tpu.memory_space<vmem_shared>> -> memref<10000x128xf32, #tpu.memory_space<vmem_shared>>
        tpu.enqueue_indirect_dma source(%arg10 : memref<125x128xf32, #tpu.memory_space<vmem>>) target(%dma_start3A_93 : memref<10000x128xf32, #tpu.memory_space<vmem_shared>>) offsets(%dma_start3A_90 : memref<125xi32, #tpu.memory_space<vmem>>) semaphore(%arg15 : memref<!tpu.dma_semaphore, #tpu.memory_space<semaphore_mem>>) {add = true}
      } else {
      }
      %scan3A_81 = arith.constant 0 : i32
      %scan3A_82 = arith.constant 0 : i32
      %scan3A_83 = arith.constant 20 : i32
      %scan3A_84 = arith.addi %scan3A_82, %scan3A_83 : i32
      %scan3A_85 = arith.constant 1 : i32
      scf.for %scan3A_87 = %scan3A_82 to %scan3A_84 step %scan3A_85  : i32 {
        %mul3A_88 = arith.constant 2 : i32
        %mul3A_89 = arith.muli %scan3A_87, %mul3A_88 : i32
        %dma_wait3A_90 = arith.constant 0 : i32
        %dma_wait3A_91 = tpu.memref_slice %arg7[%mul3A_89, %dma_wait3A_90] : memref<40x125xi32, #tpu.memory_space<vmem>> -> memref<1x125xi32, #tpu.memory_space<vmem>>
        %dma_wait3A_92 = tpu.memref_squeeze %dma_wait3A_91 : memref<1x125xi32, #tpu.memory_space<vmem>> -> memref<125xi32, #tpu.memory_space<vmem>>
        %dma_wait3A_93 = arith.constant 0 : i32
        %dma_wait3A_94 = arith.constant 0 : i32
        %dma_wait3A_95 = tpu.memref_slice %arg2[%dma_wait3A_93, %dma_wait3A_94] : memref<10000x128xf32, #tpu.memory_space<hbm>> -> memref<10000x128xf32, #tpu.memory_space<hbm>>
        tpu.wait_indirect_dma semaphore(%arg12 : memref<!tpu.dma_semaphore, #tpu.memory_space<semaphore_mem>>) src(%dma_wait3A_95 : memref<10000x128xf32, #tpu.memory_space<hbm>>) dst(%arg9 : memref<125x128xf32, #tpu.memory_space<vmem>>)
        %dma_start3A_96 = arith.constant 0 : i32
        %dma_start3A_97 = tpu.memref_slice %arg8[%mul3A_89, %dma_start3A_96] : memref<40x125xi32, #tpu.memory_space<vmem>> -> memref<1x125xi32, #tpu.memory_space<vmem>>
        %dma_start3A_98 = tpu.memref_squeeze %dma_start3A_97 : memref<1x125xi32, #tpu.memory_space<vmem>> -> memref<125xi32, #tpu.memory_space<vmem>>
        %dma_start3A_99 = arith.constant 0 : i32
        %dma_start3A_100 = arith.constant 0 : i32
        %dma_start3A_101 = tpu.memref_slice %arg11[%dma_start3A_99, %dma_start3A_100] : memref<10000x128xf32, #tpu.memory_space<vmem_shared>> -> memref<10000x128xf32, #tpu.memory_space<vmem_shared>>
        tpu.enqueue_indirect_dma source(%arg9 : memref<125x128xf32, #tpu.memory_space<vmem>>) target(%dma_start3A_101 : memref<10000x128xf32, #tpu.memory_space<vmem_shared>>) offsets(%dma_start3A_98 : memref<125xi32, #tpu.memory_space<vmem>>) semaphore(%arg14 : memref<!tpu.dma_semaphore, #tpu.memory_space<semaphore_mem>>) {add = true}
        %dma_wait3A_102 = arith.constant 0 : i32
        %dma_wait3A_103 = tpu.memref_slice %arg8[%mul3A_89, %dma_wait3A_102] : memref<40x125xi32, #tpu.memory_space<vmem>> -> memref<1x125xi32, #tpu.memory_space<vmem>>
        %dma_wait3A_104 = tpu.memref_squeeze %dma_wait3A_103 : memref<1x125xi32, #tpu.memory_space<vmem>> -> memref<125xi32, #tpu.memory_space<vmem>>
        %dma_wait3A_105 = arith.constant 0 : i32
        %dma_wait3A_106 = arith.constant 0 : i32
        %dma_wait3A_107 = tpu.memref_slice %arg11[%dma_wait3A_105, %dma_wait3A_106] : memref<10000x128xf32, #tpu.memory_space<vmem_shared>> -> memref<10000x128xf32, #tpu.memory_space<vmem_shared>>
        tpu.wait_indirect_dma semaphore(%arg15 : memref<!tpu.dma_semaphore, #tpu.memory_space<semaphore_mem>>) src(%arg10 : memref<125x128xf32, #tpu.memory_space<vmem>>) dst(%dma_wait3A_107 : memref<10000x128xf32, #tpu.memory_space<vmem_shared>>)
        %add3A_108 = arith.constant 1 : i32
        %add3A_109 = arith.addi %mul3A_89, %add3A_108 : i32
        %dma_start3A_110 = arith.constant 0 : i32
        %dma_start3A_111 = tpu.memref_slice %arg7[%add3A_109, %dma_start3A_110] : memref<40x125xi32, #tpu.memory_space<vmem>> -> memref<1x125xi32, #tpu.memory_space<vmem>>
        %dma_start3A_112 = tpu.memref_squeeze %dma_start3A_111 : memref<1x125xi32, #tpu.memory_space<vmem>> -> memref<125xi32, #tpu.memory_space<vmem>>
        %dma_start3A_113 = arith.constant 0 : i32
        %dma_start3A_114 = arith.constant 0 : i32
        %dma_start3A_115 = tpu.memref_slice %arg2[%dma_start3A_113, %dma_start3A_114] : memref<10000x128xf32, #tpu.memory_space<hbm>> -> memref<10000x128xf32, #tpu.memory_space<hbm>>
        tpu.enqueue_indirect_dma source(%dma_start3A_115 : memref<10000x128xf32, #tpu.memory_space<hbm>>) target(%arg10 : memref<125x128xf32, #tpu.memory_space<vmem>>) offsets(%dma_start3A_112 : memref<125xi32, #tpu.memory_space<vmem>>) semaphore(%arg13 : memref<!tpu.dma_semaphore, #tpu.memory_space<semaphore_mem>>)
        %add3A_116 = arith.constant 1 : i32
        %add3A_117 = arith.addi %mul3A_89, %add3A_116 : i32
        %dma_wait3A_118 = arith.constant 0 : i32
        %dma_wait3A_119 = tpu.memref_slice %arg7[%add3A_117, %dma_wait3A_118] : memref<40x125xi32, #tpu.memory_space<vmem>> -> memref<1x125xi32, #tpu.memory_space<vmem>>
        %dma_wait3A_120 = tpu.memref_squeeze %dma_wait3A_119 : memref<1x125xi32, #tpu.memory_space<vmem>> -> memref<125xi32, #tpu.memory_space<vmem>>
        %dma_wait3A_121 = arith.constant 0 : i32
        %dma_wait3A_122 = arith.constant 0 : i32
        %dma_wait3A_123 = tpu.memref_slice %arg2[%dma_wait3A_121, %dma_wait3A_122] : memref<10000x128xf32, #tpu.memory_space<hbm>> -> memref<10000x128xf32, #tpu.memory_space<hbm>>
        tpu.wait_indirect_dma semaphore(%arg13 : memref<!tpu.dma_semaphore, #tpu.memory_space<semaphore_mem>>) src(%dma_wait3A_123 : memref<10000x128xf32, #tpu.memory_space<hbm>>) dst(%arg10 : memref<125x128xf32, #tpu.memory_space<vmem>>)
        %add3A_124 = arith.constant 1 : i32
        %add3A_125 = arith.addi %mul3A_89, %add3A_124 : i32
        %dma_start3A_126 = arith.constant 0 : i32
        %dma_start3A_127 = tpu.memref_slice %arg8[%add3A_125, %dma_start3A_126] : memref<40x125xi32, #tpu.memory_space<vmem>> -> memref<1x125xi32, #tpu.memory_space<vmem>>
        %dma_start3A_128 = tpu.memref_squeeze %dma_start3A_127 : memref<1x125xi32, #tpu.memory_space<vmem>> -> memref<125xi32, #tpu.memory_space<vmem>>
        %dma_start3A_129 = arith.constant 0 : i32
        %dma_start3A_130 = arith.constant 0 : i32
        %dma_start3A_131 = tpu.memref_slice %arg11[%dma_start3A_129, %dma_start3A_130] : memref<10000x128xf32, #tpu.memory_space<vmem_shared>> -> memref<10000x128xf32, #tpu.memory_space<vmem_shared>>
        tpu.enqueue_indirect_dma source(%arg10 : memref<125x128xf32, #tpu.memory_space<vmem>>) target(%dma_start3A_131 : memref<10000x128xf32, #tpu.memory_space<vmem_shared>>) offsets(%dma_start3A_128 : memref<125xi32, #tpu.memory_space<vmem>>) semaphore(%arg15 : memref<!tpu.dma_semaphore, #tpu.memory_space<semaphore_mem>>) {add = true}
        %dma_wait3A_132 = arith.constant 0 : i32
        %dma_wait3A_133 = tpu.memref_slice %arg8[%mul3A_89, %dma_wait3A_132] : memref<40x125xi32, #tpu.memory_space<vmem>> -> memref<1x125xi32, #tpu.memory_space<vmem>>
        %dma_wait3A_134 = tpu.memref_squeeze %dma_wait3A_133 : memref<1x125xi32, #tpu.memory_space<vmem>> -> memref<125xi32, #tpu.memory_space<vmem>>
        %dma_wait3A_135 = arith.constant 0 : i32
        %dma_wait3A_136 = arith.constant 0 : i32
        %dma_wait3A_137 = tpu.memref_slice %arg11[%dma_wait3A_135, %dma_wait3A_136] : memref<10000x128xf32, #tpu.memory_space<vmem_shared>> -> memref<10000x128xf32, #tpu.memory_space<vmem_shared>>
        tpu.wait_indirect_dma semaphore(%arg14 : memref<!tpu.dma_semaphore, #tpu.memory_space<semaphore_mem>>) src(%arg9 : memref<125x128xf32, #tpu.memory_space<vmem>>) dst(%dma_wait3A_137 : memref<10000x128xf32, #tpu.memory_space<vmem_shared>>)
        %add3A_138 = arith.constant 2 : i32
        %add3A_139 = arith.addi %mul3A_89, %add3A_138 : i32
        %lt3A = arith.constant 40 : i32
        %lt3A_140 = arith.cmpi slt, %add3A_139, %lt3A : i32
        %convert_element_type3A_141 = arith.extui %lt3A_140 : i1 to i32
        %cond3A_142 = arith.constant 0 : i32
        %cond3A_143 = arith.cmpi ne, %convert_element_type3A_141, %cond3A_142 : i32
        scf.if %cond3A_143 {
          %add3A_144 = arith.constant 2 : i32
          %add3A_145 = arith.addi %mul3A_89, %add3A_144 : i32
          %dma_start3A_146 = arith.constant 0 : i32
          %dma_start3A_147 = tpu.memref_slice %arg7[%add3A_145, %dma_start3A_146] : memref<40x125xi32, #tpu.memory_space<vmem>> -> memref<1x125xi32, #tpu.memory_space<vmem>>
          %dma_start3A_148 = tpu.memref_squeeze %dma_start3A_147 : memref<1x125xi32, #tpu.memory_space<vmem>> -> memref<125xi32, #tpu.memory_space<vmem>>
          %dma_start3A_149 = arith.constant 0 : i32
          %dma_start3A_150 = arith.constant 0 : i32
          %dma_start3A_151 = tpu.memref_slice %arg2[%dma_start3A_149, %dma_start3A_150] : memref<10000x128xf32, #tpu.memory_space<hbm>> -> memref<10000x128xf32, #tpu.memory_space<hbm>>
          tpu.enqueue_indirect_dma source(%dma_start3A_151 : memref<10000x128xf32, #tpu.memory_space<hbm>>) target(%arg9 : memref<125x128xf32, #tpu.memory_space<vmem>>) offsets(%dma_start3A_148 : memref<125xi32, #tpu.memory_space<vmem>>) semaphore(%arg12 : memref<!tpu.dma_semaphore, #tpu.memory_space<semaphore_mem>>)
        } else {
        }
      }
      %scan3A_86 = arith.constant 20 : i32
    }
    %scan3A_45 = arith.constant 2 : i32
    %dma_wait3A_46 = arith.constant 0 : i32
    %dma_wait3A_47 = arith.constant 0 : i32
    %dma_wait3A_48 = tpu.memref_slice %arg8[%dma_wait3A_46, %dma_wait3A_47] : memref<40x125xi32, #tpu.memory_space<vmem>> -> memref<1x125xi32, #tpu.memory_space<vmem>>
    %dma_wait3A_49 = tpu.memref_squeeze %dma_wait3A_48 : memref<1x125xi32, #tpu.memory_space<vmem>> -> memref<125xi32, #tpu.memory_space<vmem>>
    %dma_wait3A_50 = arith.constant 0 : i32
    %dma_wait3A_51 = arith.constant 0 : i32
    %dma_wait3A_52 = tpu.memref_slice %arg11[%dma_wait3A_50, %dma_wait3A_51] : memref<10000x128xf32, #tpu.memory_space<vmem_shared>> -> memref<10000x128xf32, #tpu.memory_space<vmem_shared>>
    tpu.wait_indirect_dma semaphore(%arg15 : memref<!tpu.dma_semaphore, #tpu.memory_space<semaphore_mem>>) src(%arg10 : memref<125x128xf32, #tpu.memory_space<vmem>>) dst(%dma_wait3A_52 : memref<10000x128xf32, #tpu.memory_space<vmem_shared>>)
    %barrier3A_53 = arith.constant 0 : index
    tpu.barrier barrier_id(%barrier3A_53)
    %eq3A_54 = arith.constant 0 : i32
    %eq3A_55 = arith.cmpi eq, %arg0, %eq3A_54 : i32
    %convert_element_type3A_56 = arith.extui %eq3A_55 : i1 to i32
    %cond3A_57 = arith.constant 0 : i32
    %cond3A_58 = arith.cmpi ne, %convert_element_type3A_56, %cond3A_57 : i32
    scf.if %cond3A_58 {
      %mul3A_64 = arith.constant 624 : i32
      %mul3A_65 = arith.muli %arg1, %mul3A_64 : i32
      %mul3A_66 = arith.constant 624 : i32
      %mul3A_67 = arith.muli %arg1, %mul3A_66 : i32
      "tpu.region"() ({
        %run_scoped3A = tpu.sem_alloc : memref<!tpu.dma_semaphore, #tpu.memory_space<semaphore_mem>>
        %dma_start3A_73 = arith.constant 0 : i32
        %dma_start3A_74 = tpu.memref_slice %arg5[%mul3A_67, %dma_start3A_73] : memref<10000x128xf32, #tpu.memory_space<hbm>> -> memref<624x128xf32, #tpu.memory_space<hbm>>
        %dma_start3A_75 = arith.constant 0 : i32
        %dma_start3A_76 = tpu.memref_slice %arg11[%mul3A_65, %dma_start3A_75] : memref<10000x128xf32, #tpu.memory_space<vmem_shared>> -> memref<624x128xf32, #tpu.memory_space<vmem_shared>>
        tpu.enqueue_dma source(%dma_start3A_76 : memref<624x128xf32, #tpu.memory_space<vmem_shared>>) target(%dma_start3A_74 : memref<624x128xf32, #tpu.memory_space<hbm>>) target_semaphore(%run_scoped3A : memref<!tpu.dma_semaphore, #tpu.memory_space<semaphore_mem>>)
        %dma_wait3A_77 = arith.constant 0 : i32
        %dma_wait3A_78 = tpu.memref_slice %arg5[%mul3A_67, %dma_wait3A_77] : memref<10000x128xf32, #tpu.memory_space<hbm>> -> memref<624x128xf32, #tpu.memory_space<hbm>>
        %dma_wait3A_79 = arith.constant 0 : i32
        %dma_wait3A_80 = tpu.memref_slice %arg11[%mul3A_65, %dma_wait3A_79] : memref<10000x128xf32, #tpu.memory_space<vmem_shared>> -> memref<624x128xf32, #tpu.memory_space<vmem_shared>>
        tpu.wait_dma2 semaphore(%run_scoped3A : memref<!tpu.dma_semaphore, #tpu.memory_space<semaphore_mem>>) src(%dma_wait3A_80 : memref<624x128xf32, #tpu.memory_space<vmem_shared>>) dst(%dma_wait3A_78 : memref<624x128xf32, #tpu.memory_space<hbm>>)
        tpu.yield
      }) : () -> ()
      %eq3A_68 = arith.constant 15 : i32
      %eq3A_69 = arith.cmpi eq, %arg1, %eq3A_68 : i32
      %convert_element_type3A_70 = arith.extui %eq3A_69 : i1 to i32
      %cond3A_71 = arith.constant 0 : i32
      %cond3A_72 = arith.cmpi ne, %convert_element_type3A_70, %cond3A_71 : i32
      scf.if %cond3A_72 {
        "tpu.region"() ({
          %run_scoped3A = tpu.sem_alloc : memref<!tpu.dma_semaphore, #tpu.memory_space<semaphore_mem>>
          %dma_start3A_73 = arith.constant 9984 : i32
          %dma_start3A_74 = arith.constant 0 : i32
          %dma_start3A_75 = tpu.memref_slice %arg5[%dma_start3A_73, %dma_start3A_74] : memref<10000x128xf32, #tpu.memory_space<hbm>> -> memref<16x128xf32, #tpu.memory_space<hbm>>
          %dma_start3A_76 = arith.constant 9984 : i32
          %dma_start3A_77 = arith.constant 0 : i32
          %dma_start3A_78 = tpu.memref_slice %arg11[%dma_start3A_76, %dma_start3A_77] : memref<10000x128xf32, #tpu.memory_space<vmem_shared>> -> memref<16x128xf32, #tpu.memory_space<vmem_shared>>
          tpu.enqueue_dma source(%dma_start3A_78 : memref<16x128xf32, #tpu.memory_space<vmem_shared>>) target(%dma_start3A_75 : memref<16x128xf32, #tpu.memory_space<hbm>>) target_semaphore(%run_scoped3A : memref<!tpu.dma_semaphore, #tpu.memory_space<semaphore_mem>>)
          %dma_wait3A_79 = arith.constant 9984 : i32
          %dma_wait3A_80 = arith.constant 0 : i32
          %dma_wait3A_81 = tpu.memref_slice %arg5[%dma_wait3A_79, %dma_wait3A_80] : memref<10000x128xf32, #tpu.memory_space<hbm>> -> memref<16x128xf32, #tpu.memory_space<hbm>>
          %dma_wait3A_82 = arith.constant 9984 : i32
          %dma_wait3A_83 = arith.constant 0 : i32
          %dma_wait3A_84 = tpu.memref_slice %arg11[%dma_wait3A_82, %dma_wait3A_83] : memref<10000x128xf32, #tpu.memory_space<vmem_shared>> -> memref<16x128xf32, #tpu.memory_space<vmem_shared>>
          tpu.wait_dma2 semaphore(%run_scoped3A : memref<!tpu.dma_semaphore, #tpu.memory_space<semaphore_mem>>) src(%dma_wait3A_84 : memref<16x128xf32, #tpu.memory_space<vmem_shared>>) dst(%dma_wait3A_81 : memref<16x128xf32, #tpu.memory_space<hbm>>)
          tpu.yield
        }) : () -> ()
      } else {
      }
    } else {
    }
    %eq3A_59 = arith.constant 1 : i32
    %eq3A_60 = arith.cmpi eq, %arg0, %eq3A_59 : i32
    %convert_element_type3A_61 = arith.extui %eq3A_60 : i1 to i32
    %cond3A_62 = arith.constant 0 : i32
    %cond3A_63 = arith.cmpi ne, %convert_element_type3A_61, %cond3A_62 : i32
    scf.if %cond3A_63 {
      %mul3A_64 = arith.constant 624 : i32
      %mul3A_65 = arith.muli %arg1, %mul3A_64 : i32
      %mul3A_66 = arith.constant 624 : i32
      %mul3A_67 = arith.muli %arg1, %mul3A_66 : i32
      "tpu.region"() ({
        %run_scoped3A = tpu.sem_alloc : memref<!tpu.dma_semaphore, #tpu.memory_space<semaphore_mem>>
        %dma_start3A_73 = arith.constant 0 : i32
        %dma_start3A_74 = tpu.memref_slice %arg6[%mul3A_67, %dma_start3A_73] : memref<10000x128xf32, #tpu.memory_space<hbm>> -> memref<624x128xf32, #tpu.memory_space<hbm>>
        %dma_start3A_75 = arith.constant 0 : i32
        %dma_start3A_76 = tpu.memref_slice %arg11[%mul3A_65, %dma_start3A_75] : memref<10000x128xf32, #tpu.memory_space<vmem_shared>> -> memref<624x128xf32, #tpu.memory_space<vmem_shared>>
        tpu.enqueue_dma source(%dma_start3A_76 : memref<624x128xf32, #tpu.memory_space<vmem_shared>>) target(%dma_start3A_74 : memref<624x128xf32, #tpu.memory_space<hbm>>) target_semaphore(%run_scoped3A : memref<!tpu.dma_semaphore, #tpu.memory_space<semaphore_mem>>)
        %dma_wait3A_77 = arith.constant 0 : i32
        %dma_wait3A_78 = tpu.memref_slice %arg6[%mul3A_67, %dma_wait3A_77] : memref<10000x128xf32, #tpu.memory_space<hbm>> -> memref<624x128xf32, #tpu.memory_space<hbm>>
        %dma_wait3A_79 = arith.constant 0 : i32
        %dma_wait3A_80 = tpu.memref_slice %arg11[%mul3A_65, %dma_wait3A_79] : memref<10000x128xf32, #tpu.memory_space<vmem_shared>> -> memref<624x128xf32, #tpu.memory_space<vmem_shared>>
        tpu.wait_dma2 semaphore(%run_scoped3A : memref<!tpu.dma_semaphore, #tpu.memory_space<semaphore_mem>>) src(%dma_wait3A_80 : memref<624x128xf32, #tpu.memory_space<vmem_shared>>) dst(%dma_wait3A_78 : memref<624x128xf32, #tpu.memory_space<hbm>>)
        tpu.yield
      }) : () -> ()
      %eq3A_68 = arith.constant 15 : i32
      %eq3A_69 = arith.cmpi eq, %arg1, %eq3A_68 : i32
      %convert_element_type3A_70 = arith.extui %eq3A_69 : i1 to i32
      %cond3A_71 = arith.constant 0 : i32
      %cond3A_72 = arith.cmpi ne, %convert_element_type3A_70, %cond3A_71 : i32
      scf.if %cond3A_72 {
        "tpu.region"() ({
          %run_scoped3A = tpu.sem_alloc : memref<!tpu.dma_semaphore, #tpu.memory_space<semaphore_mem>>
          %dma_start3A_73 = arith.constant 9984 : i32
          %dma_start3A_74 = arith.constant 0 : i32
          %dma_start3A_75 = tpu.memref_slice %arg6[%dma_start3A_73, %dma_start3A_74] : memref<10000x128xf32, #tpu.memory_space<hbm>> -> memref<16x128xf32, #tpu.memory_space<hbm>>
          %dma_start3A_76 = arith.constant 9984 : i32
          %dma_start3A_77 = arith.constant 0 : i32
          %dma_start3A_78 = tpu.memref_slice %arg11[%dma_start3A_76, %dma_start3A_77] : memref<10000x128xf32, #tpu.memory_space<vmem_shared>> -> memref<16x128xf32, #tpu.memory_space<vmem_shared>>
          tpu.enqueue_dma source(%dma_start3A_78 : memref<16x128xf32, #tpu.memory_space<vmem_shared>>) target(%dma_start3A_75 : memref<16x128xf32, #tpu.memory_space<hbm>>) target_semaphore(%run_scoped3A : memref<!tpu.dma_semaphore, #tpu.memory_space<semaphore_mem>>)
          %dma_wait3A_79 = arith.constant 9984 : i32
          %dma_wait3A_80 = arith.constant 0 : i32
          %dma_wait3A_81 = tpu.memref_slice %arg6[%dma_wait3A_79, %dma_wait3A_80] : memref<10000x128xf32, #tpu.memory_space<hbm>> -> memref<16x128xf32, #tpu.memory_space<hbm>>
          %dma_wait3A_82 = arith.constant 9984 : i32
          %dma_wait3A_83 = arith.constant 0 : i32
          %dma_wait3A_84 = tpu.memref_slice %arg11[%dma_wait3A_82, %dma_wait3A_83] : memref<10000x128xf32, #tpu.memory_space<vmem_shared>> -> memref<16x128xf32, #tpu.memory_space<vmem_shared>>
          tpu.wait_dma2 semaphore(%run_scoped3A : memref<!tpu.dma_semaphore, #tpu.memory_space<semaphore_mem>>) src(%dma_wait3A_84 : memref<16x128xf32, #tpu.memory_space<vmem_shared>>) dst(%dma_wait3A_81 : memref<16x128xf32, #tpu.memory_space<hbm>>)
          tpu.yield
        }) : () -> ()
      } else {
      }
    } else {
    }
    return
  }
}

module attributes {stable_mosaic.version = 14 : i64} {
  func.func @_bias_body(%arg0: i32, %arg1: memref<1000x128xf32, #tpu.memory_space<vmem>>, %arg2: memref<1000x128xf32, #tpu.memory_space<vmem>>, %arg3: memref<1x128xf32, #tpu.memory_space<vmem>>, %arg4: memref<1000x128xf32, #tpu.memory_space<vmem>>) attributes {dimension_semantics = [#tpu.dimension_semantics<arbitrary>], iteration_bounds = array<i64: 10>, scalar_prefetch = 0 : i64, scratch_operands = 0 : i64, tpu.core_type = #tpu.core_type<tc>, window_params = [{transform_indices = @transform_0, window_bounds = array<i64: 1000, 128>}, {transform_indices = @transform_1, window_bounds = array<i64: 1000, 128>}, {pipeline_mode = #tpu.pipeline_mode<synchronous>, transform_indices = @transform_2, window_bounds = array<i64: 1, 128>}, {transform_indices = @transform_3, window_bounds = array<i64: 1000, 128>}]} {
    %get3A = arith.constant 0 : index
    %get3A_0 = arith.constant 0 : index
    %get3A_1 = vector.load %arg1[%get3A, %get3A_0] : memref<1000x128xf32, #tpu.memory_space<vmem>>, vector<1000x128xf32>
    %get3A_2 = arith.constant 0 : index
    %get3A_3 = arith.constant 0 : index
    %get3A_4 = vector.load %arg2[%get3A_2, %get3A_3] : memref<1000x128xf32, #tpu.memory_space<vmem>>, vector<1000x128xf32>
    %add3A = arith.addf %get3A_1, %get3A_4 : vector<1000x128xf32>
    %get3A_5 = arith.constant 0 : index
    %get3A_6 = arith.constant 0 : index
    %get3A_7 = vector.load %arg3[%get3A_5, %get3A_6] : memref<1x128xf32, #tpu.memory_space<vmem>>, vector<1x128xf32>
    %add3A_8 = vector.broadcast %get3A_7 : vector<1x128xf32> to vector<1000x128xf32>
    %add3A_9 = arith.addf %add3A, %add3A_8 : vector<1000x128xf32>
    %swap3A = arith.constant 0 : index
    %swap3A_10 = arith.constant 0 : index
    %swap3A_11 = vector.load %arg4[%swap3A, %swap3A_10] : memref<1000x128xf32, #tpu.memory_space<vmem>>, vector<1000x128xf32>
    tpu.vector_store %arg4[%swap3A, %swap3A_10], %add3A_9 {strides = array<i32>} : memref<1000x128xf32, #tpu.memory_space<vmem>>, vector<1000x128xf32>,
    return
  }
  func.func @transform_0(%arg0: i32) -> (i32, i32) {
    %c0_i32 = arith.constant 0 : i32
    %c0_i32_0 = arith.constant 0 : i32
    return %arg0, %c0_i32 : i32, i32
  }
  func.func @transform_1(%arg0: i32) -> (i32, i32) {
    %c0_i32 = arith.constant 0 : i32
    %c0_i32_0 = arith.constant 0 : i32
    return %arg0, %c0_i32 : i32, i32
  }
  func.func @transform_2(%arg0: i32) -> (i32, i32) {
    %c0_i32 = arith.constant 0 : i32
    %c0_i32_0 = arith.constant 0 : i32
    %c0_i32_1 = arith.constant 0 : i32
    return %c0_i32, %c0_i32_0 : i32, i32
  }
  func.func @transform_3(%arg0: i32) -> (i32, i32) {
    %c0_i32 = arith.constant 0 : i32
    %c0_i32_0 = arith.constant 0 : i32
    return %arg0, %c0_i32 : i32, i32
  }
}

module attributes {stable_mosaic.version = 14 : i64} {
  func.func @_mlp_body(%arg0: i32, %arg1: memref<1000x128xf32, #tpu.memory_space<vmem>>, %arg2: memref<1000x128xf32, #tpu.memory_space<vmem>>, %arg3: memref<128x128xf32, #tpu.memory_space<vmem>>, %arg4: memref<1x128xf32, #tpu.memory_space<vmem>>, %arg5: memref<128x128xf32, #tpu.memory_space<vmem>>, %arg6: memref<1000x128xf32, #tpu.memory_space<vmem>>) attributes {dimension_semantics = [#tpu.dimension_semantics<arbitrary>], iteration_bounds = array<i64: 10>, scalar_prefetch = 0 : i64, scratch_operands = 0 : i64, tpu.core_type = #tpu.core_type<tc>, window_params = [{transform_indices = @transform_0, window_bounds = array<i64: 1000, 128>}, {transform_indices = @transform_1, window_bounds = array<i64: 1000, 128>}, {pipeline_mode = #tpu.pipeline_mode<synchronous>, transform_indices = @transform_2, window_bounds = array<i64: 128, 128>}, {pipeline_mode = #tpu.pipeline_mode<synchronous>, transform_indices = @transform_3, window_bounds = array<i64: 1, 128>}, {pipeline_mode = #tpu.pipeline_mode<synchronous>, transform_indices = @transform_4, window_bounds = array<i64: 128, 128>}, {transform_indices = @transform_5, window_bounds = array<i64: 1000, 128>}]} {
    %get3A = arith.constant 0 : index
    %get3A_0 = arith.constant 0 : index
    %get3A_1 = vector.load %arg1[%get3A, %get3A_0] : memref<1000x128xf32, #tpu.memory_space<vmem>>, vector<1000x128xf32>
    %get3A_2 = arith.constant 0 : index
    %get3A_3 = arith.constant 0 : index
    %get3A_4 = vector.load %arg2[%get3A_2, %get3A_3] : memref<1000x128xf32, #tpu.memory_space<vmem>>, vector<1000x128xf32>
    %add3A = arith.addf %get3A_1, %get3A_4 : vector<1000x128xf32>
    %get3A_5 = arith.constant 0 : index
    %get3A_6 = arith.constant 0 : index
    %get3A_7 = vector.load %arg3[%get3A_5, %get3A_6] : memref<128x128xf32, #tpu.memory_space<vmem>>, vector<128x128xf32>
    %dot_general3A = arith.constant dense<0.000000e+00> : vector<1000x128xf32>
    %dot_general3A_8 = tpu.matmul %add3A, %get3A_7, %dot_general3A {dimension_numbers = #tpu.dot_dimension_numbers<[1], [0], [0], [1], [0, 0, 1, 1], [], []>, transpose_lhs_hint = false} : vector<1000x128xf32>, vector<128x128xf32>, vector<1000x128xf32> -> vector<1000x128xf32>
    %get3A_9 = arith.constant 0 : index
    %get3A_10 = arith.constant 0 : index
    %get3A_11 = vector.load %arg4[%get3A_9, %get3A_10] : memref<1x128xf32, #tpu.memory_space<vmem>>, vector<1x128xf32>
    %add3A_12 = vector.broadcast %get3A_11 : vector<1x128xf32> to vector<1000x128xf32>
    %add3A_13 = arith.addf %dot_general3A_8, %add3A_12 : vector<1000x128xf32>
    %max3A = arith.constant 0.000000e+00 : f32
    %max3A_14 = vector.broadcast %max3A : f32 to vector<1000x128xf32>
    %max3A_15 = arith.maximumf %add3A_13, %max3A_14 : vector<1000x128xf32>
    %get3A_16 = arith.constant 0 : index
    %get3A_17 = arith.constant 0 : index
    %get3A_18 = vector.load %arg5[%get3A_16, %get3A_17] : memref<128x128xf32, #tpu.memory_space<vmem>>, vector<128x128xf32>
    %dot_general3A_19 = arith.constant dense<0.000000e+00> : vector<1000x128xf32>
    %dot_general3A_20 = tpu.matmul %max3A_15, %get3A_18, %dot_general3A_19 {dimension_numbers = #tpu.dot_dimension_numbers<[1], [0], [0], [1], [0, 0, 1, 1], [], []>, transpose_lhs_hint = false} : vector<1000x128xf32>, vector<128x128xf32>, vector<1000x128xf32> -> vector<1000x128xf32>
    %swap3A = arith.constant 0 : index
    %swap3A_21 = arith.constant 0 : index
    %swap3A_22 = vector.load %arg6[%swap3A, %swap3A_21] : memref<1000x128xf32, #tpu.memory_space<vmem>>, vector<1000x128xf32>
    tpu.vector_store %arg6[%swap3A, %swap3A_21], %dot_general3A_20 {strides = array<i32>} : memref<1000x128xf32, #tpu.memory_space<vmem>>, vector<1000x128xf32>,
    return
  }
  func.func @transform_0(%arg0: i32) -> (i32, i32) {
    %c0_i32 = arith.constant 0 : i32
    %c0_i32_0 = arith.constant 0 : i32
    return %arg0, %c0_i32 : i32, i32
  }
  func.func @transform_1(%arg0: i32) -> (i32, i32) {
    %c0_i32 = arith.constant 0 : i32
    %c0_i32_0 = arith.constant 0 : i32
    return %arg0, %c0_i32 : i32, i32
  }
  func.func @transform_2(%arg0: i32) -> (i32, i32) {
    %c0_i32 = arith.constant 0 : i32
    %c0_i32_0 = arith.constant 0 : i32
    %c0_i32_1 = arith.constant 0 : i32
    return %c0_i32, %c0_i32_0 : i32, i32
  }
  func.func @transform_3(%arg0: i32) -> (i32, i32) {
    %c0_i32 = arith.constant 0 : i32
    %c0_i32_0 = arith.constant 0 : i32
    %c0_i32_1 = arith.constant 0 : i32
    return %c0_i32, %c0_i32_0 : i32, i32
  }
  func.func @transform_4(%arg0: i32) -> (i32, i32) {
    %c0_i32 = arith.constant 0 : i32
    %c0_i32_0 = arith.constant 0 : i32
    %c0_i32_1 = arith.constant 0 : i32
    return %c0_i32, %c0_i32_0 : i32, i32
  }
  func.func @transform_5(%arg0: i32) -> (i32, i32) {
    %c0_i32 = arith.constant 0 : i32
    %c0_i32_0 = arith.constant 0 : i32
    return %arg0, %c0_i32 : i32, i32
  }
}

</mosaic_0001>

<sc_bundles>
// kernel: kernel.6.cloned.1.call-start
scs
__scs_entry_jumppad:
0x0: {  	(pc) =	sbr.rel $0x88, $3  }
0x1: {  	(tag) =	ssettag $0x0;
	lr =	simm.s32 $0x1  }
0x2: {  	[smem:$0x3F9B] =	sst lr;
	_ =	strace $0xD0000000  }
0x3: {  	_ = 	snop  }
0x4: {  	_ = 	snop  }
0x5: {  	_ = 	snop  }
0x6: {  	_ = 	snop  }
0x7: {  	_ = 	snop  }
__scs_overlays_trampoline_lowered:
0x8: {  	[smem:$0x3FAA] =	sst s0  }
0x9: {  	[smem:$0x3FAB] =	sst s1  }
0xa: {  	[smem:$0x3FAC] =	sst s2  }
0xb: {  	[smem:$0x3FAD] =	sst s3  }
0xc: {  	[smem:$0x3FAE] =	sst s4  }
0xd: {  	[smem:$0x3FAF] =	sst s5  }
0xe: {  	[smem:$0x3FB0] =	sst s6  }
0xf: {  	[smem:$0x3FB1] =	sst s7  }
0x10: {  	[smem:$0x3FB2] =	sst s8  }
0x11: {  	[smem:$0x3FB3] =	sst s9;
	s0 =	simm.s32 @!p0 $0x0  }
0x12: {  	s1 =	sld [smem:$0x3F99];
	s0 =	simm.s32 @p0 $0x1  }
0x13: {  	[smem:$0x3FB4] =	sst s0;
	s0 =	simm.s32 @!p1 $0x0  }
0x14: {  	s2 =	sld [smem:$0x3F98];
	s0 =	simm.s32 @p1 $0x1  }
0x15: {  	[smem:$0x3FB5] =	sst s0;
	s0 =	simm.s32 @!p2 $0x0  }
0x16: {  	s3 =	sld [smem:$0x3FDB];
	s0 =	simm.s32 @p2 $0x1  }
0x17: {  	s4 =	simm.s32 $0x1BF5;
	[smem:$0x3FB7] =	sst s0  }
0x18: {  	s0 =	sld [smem:$0x3F9A];
	_ =	swait.ge [sflag:s4], $0x0  }
0x19: {  	s7 =	sld [smem:$0x3F9B]  }
0x1a: {  	s8 =	sadd.s32 $0xFFFFE003, lr  }
0x1b: {  	s9 =	sadd.s32 $0xFFFFFEF7, lr;
	s5 =	simm.s32 $0xFFFFFFFF;
	p2 =	slt.u32 s8, $0xFFFFF086  }
0x1c: {  	p1 =	slt.u32 s9, $0xF7A;
	s5 =	simm.s32 @!p2 $0x0  }
0x1d: {  	s5 =	simm.s32 @p1 $0x1;
	p0 =	seq.s32 s7, s2  }
0x1e: {  	s7 =	smul.u32 @!p0 $0xF7A, s2;
	p2 =	seq.s32 @!p0 s5, $0x0  }
0x1f: {  	s9 =	smul.u32 $0xF7A, s1;
	s8 =	simm.s32 @!p0 $0x1BF5;
	p2 =	por !p2, p0  }
0x20: {  	[sflag:s8] =	ssyncset.s32 @!p0 $0xFFFFF086;
	s6 =	sadd.s32 @!p0 s3, s7;
	s7 =	simm.s32 @!p0 $0x108  }
0x21: {  	s3 =	sadd.s32 s3, s9;
	s6 =	sadd.s32 @!p0 $0x88, s6;
	s7 =	simm.s32 @p2 $0x1082  }
0x22: {  	[simem:s7], [sflag:s8] =	dma.local @!p0 [hbm:s6], $0xF7A  }
0x23: {  	s9 =	sor.u32 $0xD0000000, s2;
	s6 =	simm.s32 $0x108;
	_ =	swait.ge @!p0 [sflag:s8], $0x0  }
0x24: {  	s3 =	sadd.s32 $0x88, s3;
	s6 =	simm.s32 @!p1 $0x1082;
	[sflag:s4] =	ssyncset.s32 $0xFFFFF086  }
0x25: {  	[simem:s6], [sflag:s4] =	dma.local [hbm:s3], $0xF7A  }
0x26: {  	[smem:$0x3F9B] =	sst s1;
	(tag) =	ssettag s2;
	_ =	strace s9  }
0x27: {  	s1 =	sld [smem:$0x3FAB]  }
0x28: {  	s2 =	sld [smem:$0x3FAC]  }
0x29: {  	s4 =	sld [smem:$0x3FAE]  }
0x2a: {  	p0 =	seq.s32 s5, $0x0;
	s5 =	sld [smem:$0x3FAF]  }
0x2b: {  	s6 =	sld [smem:$0x3FB0]  }
0x2c: {  	s7 =	sld [smem:$0x3FB1]  }
0x2d: {  	s3 =	simm.s32 $0x108;
	s8 =	sld [smem:$0x3FB2]  }
0x2e: {  	s3 =	simm.s32 @!p0 $0x1082;
	s9 =	sld [smem:$0x3FB3]  }
0x2f: {  	lr =	sadd.s32 s0, s3;
	s0 =	sld [smem:$0x3FAA]  }
0x30: {  	s3 =	sld [smem:$0x3FAD]  }
0x31: {  	[smem:$0x3FB6] =	sst s10  }
0x32: {  	s10 =	sld [smem:$0x3FB4];
	_ =	sdelay $0x3  }
0x33: {  	p0 =	seq.s32 s10, $0x1;
	s10 =	sld [smem:$0x3FB6];
	_ =	sdelay $0x3  }
0x34: {  	[smem:$0x3FB6] =	sst s10  }
0x35: {  	s10 =	sld [smem:$0x3FB5];
	_ =	sdelay $0x3  }
0x36: {  	p1 =	seq.s32 s10, $0x1;
	s10 =	sld [smem:$0x3FB6];
	_ =	sdelay $0x3  }
0x37: {  	[smem:$0x3FB6] =	sst s10  }
0x38: {  	s10 =	sld [smem:$0x3FB7]  }
0x39: {  	_ = 	snop;
	(pc) =	sbr.ind lr, $3  }
0x3a: {  	_ = 	snop  }
0x3b: {  	_ = 	snop  }
0x3c: {  	p2 =	seq.s32 s10, $0x1;
	s10 =	sld [smem:$0x3FB6]  }
0x3d: {  	_ =	shalt  }
0x3e: {  	_ =	shalt  }
0x3f: {  	_ =	shalt  }
0x40: {  	_ =	shalt  }
0x41: {  	_ =	shalt  }
0x42: {  	_ =	shalt  }
0x43: {  	_ =	shalt  }
0x44: {  	_ =	shalt  }
0x45: {  	_ =	shalt  }
0x46: {  	_ =	shalt  }
0x47: {  	_ =	shalt  }
0x48: {  	_ =	shalt  }
0x49: {  	_ =	shalt  }
0x4a: {  	_ =	shalt  }
0x4b: {  	_ =	shalt  }
0x4c: {  	_ =	shalt  }
0x4d: {  	_ =	shalt  }
0x4e: {  	_ =	shalt  }
0x4f: {  	_ =	shalt  }
0x50: {  	_ =	shalt  }
0x51: {  	_ =	shalt  }
0x52: {  	_ =	shalt  }
0x53: {  	_ =	shalt  }
0x54: {  	_ =	shalt  }
0x55: {  	_ =	shalt  }
0x56: {  	_ =	shalt  }
0x57: {  	_ =	shalt  }
0x58: {  	_ =	shalt  }
0x59: {  	_ =	shalt  }
0x5a: {  	_ =	shalt  }
0x5b: {  	_ =	shalt  }
0x5c: {  	_ =	shalt  }
0x5d: {  	_ =	shalt  }
0x5e: {  	_ =	shalt  }
0x5f: {  	_ =	shalt  }
0x60: {  	_ =	shalt  }
0x61: {  	_ =	shalt  }
0x62: {  	_ =	shalt  }
0x63: {  	_ =	shalt  }
0x64: {  	_ =	shalt  }
0x65: {  	_ =	shalt  }
0x66: {  	_ =	shalt  }
0x67: {  	_ =	shalt  }
0x68: {  	_ =	shalt  }
0x69: {  	_ =	shalt  }
0x6a: {  	_ =	shalt  }
0x6b: {  	_ =	shalt  }
0x6c: {  	_ =	shalt  }
0x6d: {  	_ =	shalt  }
0x6e: {  	_ =	shalt  }
0x6f: {  	_ =	shalt  }
0x70: {  	_ =	shalt  }
0x71: {  	_ =	shalt  }
0x72: {  	_ =	shalt  }
0x73: {  	_ =	shalt  }
0x74: {  	_ =	shalt  }
0x75: {  	_ =	shalt  }
0x76: {  	_ =	shalt  }
0x77: {  	_ =	shalt  }
0x78: {  	_ =	shalt  }
0x79: {  	_ =	shalt  }
0x7a: {  	_ =	shalt  }
0x7b: {  	_ =	shalt  }
0x7c: {  	_ =	shalt  }
0x7d: {  	_ =	shalt  }
0x7e: {  	_ =	shalt  }
0x7f: {  	_ =	shalt  }
0x80: {  	_ =	shalt  }
0x81: {  	_ =	shalt  }
0x82: {  	_ =	shalt  }
0x83: {  	_ =	shalt  }
0x84: {  	_ =	shalt  }
0x85: {  	_ =	shalt  }
0x86: {  	_ =	shalt  }
0x87: {  	_ =	shalt  }
.Lfunc_end0:
.L_simem_size_0:
called_computation_lowered:
.L_overlay_start_0:
0x88: {  	s2 =	sld [smem:$0x3FD9]  }
0x89: {  	s3 =	sld [smem:$0x3FFE];
	_ =	sdelay $0x1  }
0x8a: {  	s1 =	srdreg.scid  }
0x8b: {  	s0 =	sand.u32 $0x1, s1  }
0x8c: {  	s17 =	sshll.u32 s0, $0xA;
	s2 =	sadd.s32 s3, s2  }
0x8d: {  	s2 =	sadd.s32 s2, s17  }
0x8e: {  	[smem:$0x3FC2] =	sst s2  }
0x8f: {  	_ = 	snop  }
0x90: {  	s2 =	sld [smem:$0x3FC9]  }
0x91: {  	s18 =	sld [smem:$0x3FD0];
	(tm) =	ssettm $0x1  }
0x92: {  	s4 =	sld [smem:$0x3FFB];
	_ =	sdelay $0x3  }
0x93: {  	_ =	strace s4  }
0x94: {  	s4 =	sld [smem:$0x3FFC];
	_ =	sdelay $0x3  }
0x95: {  	_ =	strace s4  }
0x96: {  	s4 =	sld [smem:$0x3FFD];
	_ =	sdelay $0x3  }
0x97: {  	_ =	strace s4  }
0x98: {  	_ =	strace $0x8FFFFFFF  }
0x99: {  	s19 =	sld [smem:$0x3FDB];
	_ =	sdelay $0x1  }
0x9a: {  	s5 =	simm.s32 $_scs_section_size  }
0x9b: {  	s6 =	simm.s32 $_size__tile_overlayer_lowered;
	s7 =	simm.s32 $_tile_overlayer_lowered  }
0x9c: {  	s22 =	simm.s32 $0x1BFF;
	s21 =	sshll.u32 s7, $0x1;
	s4 =	sadd.s32 s5, s19  }
0x9d: {  	s8 =	simm.s32 $0x0;
	s20 =	sshll.u32 s6, $0x1;
	s6 =	sadd.s32 s21, s4  }
0x9e: {  	[timem:s8], [sflag:s22] =	dma.local [hbm:s6], s20  }
0x9f: {  	_ =	swait.ge [sflag:s22], s20  }
0xa0: {  	s5 =	ssub.s32 $0x0, s20;
	[sflag:s22] =	ssyncset.done $0x0  }
0xa1: {  	[sflag:s22] =	ssyncadd.s32 s5;
	_ =	sdelay $0x1  }
0xa2: {  	s23 =	simm.s32 $0x1B8B  }
0xa3: {  	_ =	swait.ge [sflag:s23], $0x1  }
0xa4: {  	[sflag:s23] =	ssyncset.done $0x0  }
0xa5: {  	s25 =	simm.s32 $0x1B8E;
	s24 =	sld [smem:$0x3FFE];
	[sflag:s23] =	ssyncadd.s32 $0xFFFFFFFF  }
0xa6: {  	s26 =	simm.s32 $execute0_lowered;
	[smem:$0x3FD2] =	sst s25  }
0xa7: {  	s6 =	sshll.u32 s26, $0x1;
	_ =	strace $0x80000046;
	[dreg:$0x1] =	wrdreg $0xFFFFFFFF  }
0xa8: {  	s28 =	simm.s32 $_size_execute0_lowered;
	s4 =	sadd.s32 s4, s6;
	[dreg:$0x0] =	wrdreg $0x0  }
0xa9: {  	s6 =	sshll.u32 s28, $0x1;
	[dreg:$0x2] =	wrdreg s4  }
0xaa: {  	[dreg:$0x3] =	wrdreg s6  }
0xab: {  	[dreg:$0x4] =	wrdreg $0xC0  }
0xac: {  	_ =	task [dreg:s8], $0x5FFFF  }
0xad: {  	[dreg:$0x1] =	wrdreg $0xFFFFFFFF  }
0xae: {  	[dreg:$0x0] =	wrdreg $0x60  }
0xaf: {  	[dreg:$0x2] =	wrdreg s2  }
0xb0: {  	[dreg:$0x3] =	wrdreg s24  }
0xb1: {  	[dreg:$0x4] =	wrdreg s18  }
0xb2: {  	[dreg:$0x5] =	wrdreg $0xA8000  }
0xb3: {  	[dreg:$0x6] =	wrdreg $0x9  }
0xb4: {  	_ =	task.clear_ibuf [dreg:s8], $0x7FFFF;
	_ =	strace $0x90000046  }
0xb5: {  	s29 =	simm.s32 $0x9;
	_ =	strace $0x80000048  }
0xb6: {  	_ =	swait.ge [sflag:s29], $0x1  }
0xb7: {  	[sflag:s29] =	ssyncadd.s32 $0xFFFFFFFF  }
0xb8: {  	_ =	strace $0x90000048  }
0xb9: {  	_ =	sfence  }
0xba: {  	s30 =	sld [smem:$0x0];
	_ =	sdelay $0x2  }
0xbb: {  	s31 =	sshll.u32 s1, $0xD;
	s1 =	sshrl.u32 s1, $0x2  }
0xbc: {  	s3 =	sand.u32 $0x4000, s31;
	s1 =	sadd.s32 s1, s30  }
0xbd: {  	s0 =	sor.u32 s3, s0;
	s1 =	sshll.u32 s1, $0x11  }
0xbe: {  	s0 =	sor.u32 s1, s0  }
0xbf: {  	s0 =	sadd.s32 $0x8F2B, s0  }
0xc0: {  	[sflag:s0] =	ssyncadd.remote.s32 $0x1  }
0xc1: {  	_ =	sfence.sel $0xFFFF  }
0xc2: {  	[dreg:$0x0] =	wrdreg $0xFFFFFFFF;
	(pc) =	sbr.abs _section_cstart, $3  }
0xc3: {  	[dreg:$0x1] =	wrdreg $0xFFFFFFFF  }
0xc4: {  	_ =	task.clear_ibuf [dreg:s8], $0x2FFFF;
	_ =	strace $0x9FFFFFFF  }
0xc5: {  	(tm) =	ssettm $0x7FFFFFFF  }
tec
execute0_lowered:
.L_overlay_start_1:
0x0: {  	(tag) =	ssettag $0x1  }
0x1: {  	s0 =	rddreg [dreg:$0x0]  }
0x2: {  	s2 =	rddreg [dreg:$0x1]  }
0x3: {  	s1 =	srdreg.scid;
	s13 =	rddreg [dreg:$0x2]  }
0x4: {  	s6 =	stileid.u32;
	s4 =	rddreg [dreg:$0x3];
	s5 =	simm.s32 $0x0  }
0x5: {  	s19 =	simm.s32 $0x1400;
	s21 =	simm.s32 $0x5;
	s23 =	simm.s32 $0x1  }
0x6: {  	s28 =	simm.s32 $0x6800;
	s29 =	simm.s32 $0x4;
	s30 =	simm.s32 $0x3  }
0x7: {  	s31 =	simm.s32 $0x2700;
	s1 =	sand.u32 $0x1, s1;
	[smem:$0x7FF] =	sst s5  }
0x8: {  	s10 =	smul.u32 $0x4E000, s6;
	s18 =	sadd.s32 $0x16200, s2;
	s7 =	sadd.s32 $0x3D400, s2  }
0x9: {  	s16 =	smul.u32 $0x2700, s6;
	s11 =	sshll.u32 s6, $0x6;
	s12 =	sadd.s32 $0x138000, s4  }
0xa: {  	p1 =	sne.s32 s6, $0xF;
	p2 =	seq.s32 s6, $0xF;
	s3 =	sshll.u32 s1, $0x4  }
0xb: {  	_ =	strace $0x80000047;
	s8 =	ssub.s32 $0x2, s1;
	s11 =	sor.u32 $0x1C05, s11  }
0xc: {  	p0 =	seq.s32 s1, $0x1;
	[dreg:$0x5] =	wrdreg s18;
	s22 =	sshrl.u32 @!p1 s12, $0x3  }
0xd: {  	s1 =	simm.s32 $0x2780;
	s3 =	sor.u32 s6, s3;
	s9 =	sshrl.u32 s8, $0x1  }
0xe: {  	s10 =	sshrl.u32 s10, $0x2;
	s25 =	sadd.s32 s18, s16;
	s26 =	sadd.s32 s7, s16  }
0xf: {  	s3 =	smul.u32 $0x2800, s3;
	s24 =	ssub.s32 s8, s9;
	s17 =	sadd.s32 s10, s4  }
0x10: {  	s10 =	sadd.s32 s13, s16;
	s13 =	sadd.s32 $0x27000, s13;
	[dreg:$0x6] =	wrdreg s25  }
.Ltmp0:
0x11: {  	[dreg:$0x7] =	wrdreg s26;
	s25 =	simm.s32 $0x7D;
	(pc) =	sbr.rel .LBB2_1-.Ltmp0, $4  }
0x12: {  	s26 =	simm.s32 $0x2800;
	s18 =	smax.u32 s24, $0x1;
	s3 =	sshrl.u32 s3, $0x3  }
0x13: {  	s20 =	sshrl.u32 s17, $0x3;
	s24 =	simm.s32 $0x2;
	s3 =	sadd.s32 s3, s2  }
0x14: {  	s2 =	simm.s32 $0x1380;
	s8 =	sadd.s32 $0x2200, s3;
	s9 =	sadd.s32 $0xC200, s3  }
0x15: {  	s14 =	sadd.s32 $0x2480, s3;
	s15 =	sadd.s32 $0xC480, s3;
	s3 =	simm.s32 $0x0  }
.LBB2_8:
0x16: {  	s6 =	sadd.s32 $0x27000, s16;
	s17 =	sshrl.u32 s12, $0x3  }
0x17: {  	[hbm:s6], [sflag:s11] =	dma.local [spmem:s17], $0x100  }
0x18: {  	_ =	swait.ge [sflag:s21], $0x100  }
0x19: {  	[sflag:s21] =	ssyncset.done $0x0  }
0x1a: {  	[sflag:s21] =	ssyncadd.s32 $0xFFFFFF00  }
.LBB2_9:
0x1b: {  	s3 =	sadd.s32 $0x1, s3  }
0x1c: {  	p3 =	sne.s32 s3, s18  }
.Ltmp1:
0x1d: {  	_ = 	snop;
	(pc) =	sbr.rel @!p3 .LBB2_10-.Ltmp1, $1  }
0x1e: {  	_ =	sdelay $0x3  }
.LBB2_1:
0x1f: {  	[tilespmem:s5], [sflag:$0x1] =	stream.linear.gather [hbm4b:s8+s5], $0x1400, $0x38;
	[tilespmem:$0x1E080] =	vst v63  }
0x20: {  	_ = 	snop  }
0x21: {  	[tilespmem:s19], [sflag:$0x2] =	stream.linear.gather [hbm4b:s9+s5], $0x1400, $0x38;
	[tilespmem:$0x1E080] =	vst v63  }
0x22: {  	[spmem:s20], [sflag:s11] =	dma.local [hbm:s10], $0x2700  }
0x23: {  	_ =	swait.ge [sflag:s21], $0x2700  }
0x24: {  	[sflag:s21] =	ssyncset.done $0x0  }
0x25: {  	s16 =	simm.s32 @!p1 $0x5;
	[sflag:s21] =	ssyncadd.s32 $0xFFFFD900  }
0x26: {  	[spmem:s22], [sflag:s11] =	dma.local @!p1 [hbm:s13], $0x100  }
0x27: {  	_ =	swait.ge @!p1 [sflag:s16], $0x100  }
0x28: {  	[sflag:s16] =	ssyncset.done @!p1 $0x0  }
0x29: {  	[sflag:s16] =	ssyncadd.s32 @!p1 $0xFFFFFF00  }
0x2a: {  	_ =	swait.ge [sflag:s23], $0x1400  }
0x2b: {  	[sflag:s23] =	ssyncset.done $0x0  }
0x2c: {  	[sflag:s23] =	ssyncadd.s32 $0xFFFFEC00  }
0x2d: {  	_ =	swait.ge [sflag:s24], $0x1400  }
0x2e: {  	[sflag:s24] =	ssyncset.done $0x0  }
0x2f: {  	[sflag:s24] =	ssyncadd.s32 $0xFFFFEC00  }
0x30: {  	[bflag:$0x0] =	sbarrier.arrive $0xFFFF  }
0x31: {  	[tilespmem:s26], [sflag:$0x1] =	stream.indirect.gather [hbm4b:s0+s25], $0x80, s5, s25, $0xb8;
	[tilespmem:$0x1E080] =	vst v63  }
0x32: {  	s6 =	rddreg [dreg:$0x2]  }
0x33: {  	[tilespmem:s28], [sflag:$0x5] =	stream.indirect.gather [hbm4b:s6+s25], $0x80, s19, s25, $0xb8;
	[tilespmem:$0x1E080] =	vst v63  }
0x34: {  	_ =	swait.ge [sflag:s21], $0x3E80  }
0x35: {  	[sflag:s21] =	ssyncset.done $0x0  }
0x36: {  	[sflag:s21] =	ssyncadd.s32 $0xFFFFC180  }
0x37: {  	[spmem:s4] =	stream.indirect.scatter.add.f32 [tilespmem:s28], [sflag:$0x4], $0x80, s19, s25, $0xb8;
	[tilespmem:$0x1E080] =	vst v63  }
0x38: {  	_ =	swait.ge [sflag:s23], $0x3E80  }
0x39: {  	[sflag:s23] =	ssyncset.done $0x0  }
0x3a: {  	s17 =	simm.s32 $0x1400;
	[sflag:s23] =	ssyncadd.s32 $0xFFFFC180  }
0x3b: {  	[spmem:s4] =	stream.indirect.scatter.add.f32 [tilespmem:s26], [sflag:$0x3], $0x80, s17, s25, $0xb8;
	[tilespmem:$0x1E080] =	vst v63  }
0x3c: {  	_ =	swait.ge [sflag:s29], $0x3E80  }
0x3d: {  	[sflag:s29] =	ssyncset.done $0x0  }
0x3e: {  	s6 =	simm.s32 $0x80;
	[sflag:s29] =	ssyncadd.s32 $0xFFFFC180  }
0x3f: {  	[tilespmem:s28], [sflag:$0x2] =	stream.indirect.gather [hbm4b:s0+s25], $0x80, s6, s25, $0xb8;
	[tilespmem:$0x1E080] =	vst v63  }
0x40: {  	_ =	swait.ge [sflag:s24], $0x3E80  }
0x41: {  	[sflag:s24] =	ssyncset.done $0x0  }
0x42: {  	s17 =	simm.s32 $0x1480;
	[sflag:s24] =	ssyncadd.s32 $0xFFFFC180  }
0x43: {  	[spmem:s4] =	stream.indirect.scatter.add.f32 [tilespmem:s28], [sflag:$0x4], $0x80, s17, s25, $0xb8;
	[tilespmem:$0x1E080] =	vst v63  }
0x44: {  	_ =	swait.ge [sflag:s30], $0x3E80  }
0x45: {  	[sflag:s30] =	ssyncset.done $0x0  }
0x46: {  	s16 =	simm.s32 $0x400;
	s17 =	simm.s32 $0x100;
	[sflag:s30] =	ssyncadd.s32 $0xFFFFC180  }
.LBB2_2:
0x47: {  	[tilespmem:s26], [sflag:$0x1] =	stream.indirect.gather [hbm4b:s0+s25], $0x80, s17, s25, $0xb8;
	[tilespmem:$0x1E080] =	vst v63  }
0x48: {  	s17 =	smov.u32 s16  }
0x49: {  	p3 =	sne.s32 s16, $0x4800;
	s16 =	sadd.s32 $0x400, s16;
	_ =	swait.ge [sflag:s23], $0x3E80  }
0x4a: {  	s17 =	sshra.s32 s17, $0x2;
	[sflag:s23] =	ssyncset.done $0x0  }
0x4b: {  	s6 =	sadd.s32 $0x1400, s17;
	[sflag:s23] =	ssyncadd.s32 $0xFFFFC180  }
0x4c: {  	[spmem:s4] =	stream.indirect.scatter.add.f32 [tilespmem:s26], [sflag:$0x3], $0x80, s6, s25, $0xb8;
	[tilespmem:$0x1E080] =	vst v63  }
0x4d: {  	_ =	swait.ge [sflag:s29], $0x3E80  }
0x4e: {  	[sflag:s29] =	ssyncset.done $0x0  }
0x4f: {  	s6 =	sadd.s32 $0x80, s17;
	[sflag:s29] =	ssyncadd.s32 $0xFFFFC180  }
0x50: {  	[tilespmem:s28], [sflag:$0x2] =	stream.indirect.gather [hbm4b:s0+s25], $0x80, s6, s25, $0xb8;
	[tilespmem:$0x1E080] =	vst v63  }
0x51: {  	_ =	swait.ge [sflag:s24], $0x3E80  }
0x52: {  	[sflag:s24] =	ssyncset.done $0x0  }
.Ltmp2:
0x53: {  	s6 =	sadd.s32 $0x1480, s17;
	[sflag:s24] =	ssyncadd.s32 $0xFFFFC180;
	(pc) =	sbr.rel @p3 .LBB2_2-.Ltmp2, $4  }
0x54: {  	[spmem:s4] =	stream.indirect.scatter.add.f32 [tilespmem:s28], [sflag:$0x4], $0x80, s6, s25, $0xb8;
	[tilespmem:$0x1E080] =	vst v63  }
0x55: {  	_ =	swait.ge [sflag:s30], $0x3E80  }
0x56: {  	[sflag:s30] =	ssyncset.done $0x0  }
0x57: {  	s17 =	sadd.s32 $0x100, s17;
	[sflag:s30] =	ssyncadd.s32 $0xFFFFC180  }
0x58: {  	[tilespmem:s26], [sflag:$0x1] =	stream.indirect.gather [hbm4b:s0+s25], $0x80, s17, s25, $0xb8;
	[tilespmem:$0x1E080] =	vst v63  }
0x59: {  	_ =	swait.ge [sflag:s23], $0x3E80  }
0x5a: {  	[sflag:s23] =	ssyncset.done $0x0  }
0x5b: {  	[sflag:s23] =	ssyncadd.s32 $0xFFFFC180  }
0x5c: {  	[spmem:s4] =	stream.indirect.scatter.add.f32 [tilespmem:s26], [sflag:$0x3], $0x80, s31, s25, $0xb8;
	[tilespmem:$0x1E080] =	vst v63  }
0x5d: {  	_ =	swait.ge [sflag:s29], $0x3E80  }
0x5e: {  	[sflag:s29] =	ssyncset.done $0x0  }
0x5f: {  	[sflag:s29] =	ssyncadd.s32 $0xFFFFC180  }
0x60: {  	[tilespmem:s28], [sflag:$0x2] =	stream.indirect.gather [hbm4b:s0+s25], $0x80, s2, s25, $0xb8;
	[tilespmem:$0x1E080] =	vst v63  }
0x61: {  	_ =	swait.ge [sflag:s24], $0x3E80  }
0x62: {  	[sflag:s24] =	ssyncset.done $0x0  }
0x63: {  	[sflag:s24] =	ssyncadd.s32 $0xFFFFC180  }
0x64: {  	[spmem:s4] =	stream.indirect.scatter.add.f32 [tilespmem:s28], [sflag:$0x4], $0x80, s1, s25, $0xb8;
	[tilespmem:$0x1E080] =	vst v63  }
0x65: {  	_ =	swait.ge [sflag:s30], $0x3E80  }
0x66: {  	[sflag:s30] =	ssyncset.done $0x0  }
0x67: {  	s6 =	simm.s32 $0x0;
	[sflag:s30] =	ssyncadd.s32 $0xFFFFC180  }
0x68: {  	[tilespmem:s6], [sflag:$0x5] =	stream.linear.gather [hbm4b:s14+s6], $0x1400, $0x38;
	[tilespmem:$0x1E080] =	vst v63  }
0x69: {  	_ =	swait.ge [sflag:s21], $0x1400  }
0x6a: {  	[sflag:s21] =	ssyncset.done $0x0  }
0x6b: {  	[sflag:s21] =	ssyncadd.s32 $0xFFFFEC00  }
0x6c: {  	[tilespmem:s19], [sflag:$0x5] =	stream.linear.gather [hbm4b:s15+s6], $0x1400, $0x38;
	[tilespmem:$0x1E080] =	vst v63  }
0x6d: {  	_ =	swait.ge [sflag:s21], $0x1400  }
0x6e: {  	[sflag:s21] =	ssyncset.done $0x0  }
0x6f: {  	[sflag:s21] =	ssyncadd.s32 $0xFFFFEC00  }
0x70: {  	[tilespmem:s26], [sflag:$0x1] =	stream.indirect.gather [hbm4b:s0+s25], $0x80, s6, s25, $0xb8;
	[tilespmem:$0x1E080] =	vst v63  }
0x71: {  	_ =	swait.ge [sflag:s23], $0x3E80  }
0x72: {  	[sflag:s23] =	ssyncset.done $0x0  }
0x73: {  	s17 =	simm.s32 $0x1400;
	[sflag:s23] =	ssyncadd.s32 $0xFFFFC180  }
0x74: {  	[spmem:s4] =	stream.indirect.scatter.add.f32 [tilespmem:s26], [sflag:$0x3], $0x80, s17, s25, $0xb8;
	[tilespmem:$0x1E080] =	vst v63  }
0x75: {  	_ =	swait.ge [sflag:s29], $0x3E80  }
0x76: {  	[sflag:s29] =	ssyncset.done $0x0  }
0x77: {  	s16 =	simm.s32 $0x80;
	[sflag:s29] =	ssyncadd.s32 $0xFFFFC180  }
0x78: {  	[tilespmem:s28], [sflag:$0x2] =	stream.indirect.gather [hbm4b:s0+s25], $0x80, s16, s25, $0xb8;
	[tilespmem:$0x1E080] =	vst v63  }
0x79: {  	_ =	swait.ge [sflag:s24], $0x3E80  }
0x7a: {  	[sflag:s24] =	ssyncset.done $0x0  }
0x7b: {  	s17 =	simm.s32 $0x1480;
	[sflag:s24] =	ssyncadd.s32 $0xFFFFC180  }
0x7c: {  	[spmem:s4] =	stream.indirect.scatter.add.f32 [tilespmem:s28], [sflag:$0x4], $0x80, s17, s25, $0xb8;
	[tilespmem:$0x1E080] =	vst v63  }
0x7d: {  	_ =	swait.ge [sflag:s30], $0x3E80  }
0x7e: {  	[sflag:s30] =	ssyncset.done $0x0  }
0x7f: {  	s16 =	simm.s32 $0x400;
	s17 =	simm.s32 $0x100;
	[sflag:s30] =	ssyncadd.s32 $0xFFFFC180  }
.LBB2_4:
0x80: {  	[tilespmem:s26], [sflag:$0x1] =	stream.indirect.gather [hbm4b:s0+s25], $0x80, s17, s25, $0xb8;
	[tilespmem:$0x1E080] =	vst v63  }
0x81: {  	s6 =	smov.u32 s16  }
0x82: {  	p3 =	sne.s32 s16, $0x4800;
	s16 =	sadd.s32 $0x400, s16;
	_ =	swait.ge [sflag:s23], $0x3E80  }
0x83: {  	s6 =	sshra.s32 s6, $0x2;
	[sflag:s23] =	ssyncset.done $0x0  }
0x84: {  	s17 =	sadd.s32 $0x1400, s6;
	[sflag:s23] =	ssyncadd.s32 $0xFFFFC180  }
0x85: {  	[spmem:s4] =	stream.indirect.scatter.add.f32 [tilespmem:s26], [sflag:$0x3], $0x80, s17, s25, $0xb8;
	[tilespmem:$0x1E080] =	vst v63  }
0x86: {  	_ =	swait.ge [sflag:s29], $0x3E80  }
0x87: {  	[sflag:s29] =	ssyncset.done $0x0  }
0x88: {  	s17 =	sadd.s32 $0x80, s6;
	[sflag:s29] =	ssyncadd.s32 $0xFFFFC180  }
0x89: {  	[tilespmem:s28], [sflag:$0x2] =	stream.indirect.gather [hbm4b:s0+s25], $0x80, s17, s25, $0xb8;
	[tilespmem:$0x1E080] =	vst v63  }
0x8a: {  	_ =	swait.ge [sflag:s24], $0x3E80  }
0x8b: {  	[sflag:s24] =	ssyncset.done $0x0  }
.Ltmp3:
0x8c: {  	s17 =	sadd.s32 $0x1480, s6;
	[sflag:s24] =	ssyncadd.s32 $0xFFFFC180;
	(pc) =	sbr.rel @p3 .LBB2_4-.Ltmp3, $4  }
0x8d: {  	[spmem:s4] =	stream.indirect.scatter.add.f32 [tilespmem:s28], [sflag:$0x4], $0x80, s17, s25, $0xb8;
	[tilespmem:$0x1E080] =	vst v63  }
0x8e: {  	_ =	swait.ge [sflag:s30], $0x3E80  }
0x8f: {  	[sflag:s30] =	ssyncset.done $0x0  }
0x90: {  	s17 =	sadd.s32 $0x100, s6;
	[sflag:s30] =	ssyncadd.s32 $0xFFFFC180  }
0x91: {  	[tilespmem:s26], [sflag:$0x1] =	stream.indirect.gather [hbm4b:s0+s25], $0x80, s17, s25, $0xb8;
	[tilespmem:$0x1E080] =	vst v63  }
0x92: {  	_ =	swait.ge [sflag:s23], $0x3E80  }
0x93: {  	[sflag:s23] =	ssyncset.done $0x0  }
0x94: {  	[sflag:s23] =	ssyncadd.s32 $0xFFFFC180  }
0x95: {  	[spmem:s4] =	stream.indirect.scatter.add.f32 [tilespmem:s26], [sflag:$0x3], $0x80, s31, s25, $0xb8;
	[tilespmem:$0x1E080] =	vst v63  }
0x96: {  	_ =	swait.ge [sflag:s29], $0x3E80  }
0x97: {  	[sflag:s29] =	ssyncset.done $0x0  }
0x98: {  	[sflag:s29] =	ssyncadd.s32 $0xFFFFC180  }
0x99: {  	[tilespmem:s28], [sflag:$0x2] =	stream.indirect.gather [hbm4b:s0+s25], $0x80, s2, s25, $0xb8;
	[tilespmem:$0x1E080] =	vst v63  }
0x9a: {  	_ =	swait.ge [sflag:s24], $0x3E80  }
0x9b: {  	[sflag:s24] =	ssyncset.done $0x0  }
0x9c: {  	[sflag:s24] =	ssyncadd.s32 $0xFFFFC180  }
0x9d: {  	[spmem:s4] =	stream.indirect.scatter.add.f32 [tilespmem:s28], [sflag:$0x4], $0x80, s1, s25, $0xb8;
	[tilespmem:$0x1E080] =	vst v63  }
0x9e: {  	_ =	swait.ge [sflag:s30], $0x3E80  }
0x9f: {  	[sflag:s30] =	ssyncset.done $0x0  }
0xa0: {  	[sflag:s30] =	ssyncadd.s32 $0xFFFFC180  }
.Ltmp4:
0xa1: {  	_ =	swait.ge [sflag:s29], $0x3E80;
	(pc) =	sbr.rel @!p0 .LBB2_6-.Ltmp4, $3  }
0xa2: {  	[sflag:s29] =	ssyncset.done $0x0  }
0xa3: {  	[sflag:s29] =	ssyncadd.s32 $0xFFFFC180  }
0xa4: {  	[bflag:$0x0] =	sbarrier.arrive $0xFFFF;
	_ =	sdelay $0x1  }
0xa5: {  	s6 =	rddreg [dreg:$0x7]  }
0xa6: {  	[hbm:s6], [sflag:s11] =	dma.local [spmem:s20], $0x2700  }
.Ltmp5:
0xa7: {  	_ = 	snop;
	(pc) =	sbr.rel @p1 .LBB2_9-.Ltmp5, $4  }
.Ltmp6:
0xa8: {  	_ = 	snop;
	(pc) =	sbr.rel @!p1 .LBB2_8-.Ltmp6, $4  }
0xa9: {  	_ =	swait.ge [sflag:s21], $0x2700  }
0xaa: {  	[sflag:s21] =	ssyncset.done $0x0  }
0xab: {  	s16 =	smov.u32 s7;
	[sflag:s21] =	ssyncadd.s32 $0xFFFFD900  }
0xac: {  	_ = 	snop  }
.LBB2_6:
0xad: {  	s6 =	rddreg [dreg:$0x6]  }
0xae: {  	[hbm:s6], [sflag:s11] =	dma.local [spmem:s20], $0x2700  }
.Ltmp7:
0xaf: {  	_ = 	snop;
	(pc) =	sbr.rel @p2 .LBB2_8-.Ltmp7, $4  }
.Ltmp8:
0xb0: {  	_ = 	snop;
	(pc) =	sbr.rel @!p2 .LBB2_9-.Ltmp8, $4  }
0xb1: {  	_ =	swait.ge [sflag:s21], $0x2700  }
0xb2: {  	[sflag:s21] =	ssyncset.done $0x0  }
0xb3: {  	s16 =	rddreg [dreg:$0x5];
	[sflag:s21] =	ssyncadd.s32 $0xFFFFD900  }
0xb4: {  	_ = 	snop  }
.LBB2_10:
0xb5: {  	_ =	sfence.sel $0x180000  }
0xb6: {  	[bflag:$0x0] =	sbarrier.arrive $0xFFFF  }
0xb7: {  	_ =	strace $0x90000047  }
0xb8: {  	s0 =	stileid.u32;
	[bflag:$0x2] =	sbarrier.arrive $0xFFFF  }
0xb9: {  	p0 =	sne.s32 s0, $0x0;
	s0 =	rddreg [dreg:$0x4]  }
0xba: {  	s0 =	sadd.s32 @!p0 $0x100000, s0  }
0xbb: {  	[sflag:s0] =	ssyncadd.tile.s32 @!p0 $0x1;
	_ =	shalt  }
.Lfunc_end2:
_tile_overlayer_lowered:
.L_overlay_start_2:
0xbc: {  	(tag) =	ssettag $0x2  }
0xbd: {  	s0 =	rddreg [dreg:$0x0];
	s2 =	stileid.u32  }
0xbe: {  	s1 =	rddreg [dreg:$0x1];
	p0 =	sne.s32 s2, $0x0  }
0xbf: {  	s3 =	rddreg [dreg:$0x2];
	[bflag:$0x3] =	sbarrier.arrive $0xFFFF;
	s2 =	simm.s32 @!p0 $0x1C05  }
0xc0: {  	[timem:s3], [sflag:s2] =	dma.local @!p0 [hbm:s0], s1  }
0xc1: {  	s0 =	simm.s32 @!p0 $0x5  }
0xc2: {  	_ =	swait.ge @!p0 [sflag:s0], s1  }
0xc3: {  	s1 =	ssub.s32 @!p0 $0x0, s1;
	[sflag:s0] =	ssyncset.done @!p0 $0x0  }
0xc4: {  	[sflag:s0] =	ssyncadd.s32 @!p0 s1  }
0xc5: {  	[bflag:$0x3] =	sbarrier.arrive $0xFFFF  }
0xc6: {  	_ =	shalt  }

// kernel: kernel.9.cloned.1.call-start
scs
__scs_entry_jumppad:
0x0: {  	(pc) =	sbr.rel $0x88, $3  }
0x1: {  	(tag) =	ssettag $0x0;
	lr =	simm.s32 $0x1  }
0x2: {  	[smem:$0x3F9B] =	sst lr;
	_ =	strace $0xD0000000  }
0x3: {  	_ = 	snop  }
0x4: {  	_ = 	snop  }
0x5: {  	_ = 	snop  }
0x6: {  	_ = 	snop  }
0x7: {  	_ = 	snop  }
__scs_overlays_trampoline_lowered:
0x8: {  	[smem:$0x3FAA] =	sst s0  }
0x9: {  	[smem:$0x3FAB] =	sst s1  }
0xa: {  	[smem:$0x3FAC] =	sst s2  }
0xb: {  	[smem:$0x3FAD] =	sst s3  }
0xc: {  	[smem:$0x3FAE] =	sst s4  }
0xd: {  	[smem:$0x3FAF] =	sst s5  }
0xe: {  	[smem:$0x3FB0] =	sst s6  }
0xf: {  	[smem:$0x3FB1] =	sst s7  }
0x10: {  	[smem:$0x3FB2] =	sst s8  }
0x11: {  	[smem:$0x3FB3] =	sst s9;
	s0 =	simm.s32 @!p0 $0x0  }
0x12: {  	s1 =	sld [smem:$0x3F99];
	s0 =	simm.s32 @p0 $0x1  }
0x13: {  	[smem:$0x3FB4] =	sst s0;
	s0 =	simm.s32 @!p1 $0x0  }
0x14: {  	s2 =	sld [smem:$0x3F98];
	s0 =	simm.s32 @p1 $0x1  }
0x15: {  	[smem:$0x3FB5] =	sst s0;
	s0 =	simm.s32 @!p2 $0x0  }
0x16: {  	s3 =	sld [smem:$0x3FDB];
	s0 =	simm.s32 @p2 $0x1  }
0x17: {  	s4 =	simm.s32 $0x1BF5;
	[smem:$0x3FB7] =	sst s0  }
0x18: {  	s0 =	sld [smem:$0x3F9A];
	_ =	swait.ge [sflag:s4], $0x0  }
0x19: {  	s7 =	sld [smem:$0x3F9B]  }
0x1a: {  	s8 =	sadd.s32 $0xFFFFE003, lr  }
0x1b: {  	s9 =	sadd.s32 $0xFFFFFEF7, lr;
	s5 =	simm.s32 $0xFFFFFFFF;
	p2 =	slt.u32 s8, $0xFFFFF086  }
0x1c: {  	p1 =	slt.u32 s9, $0xF7A;
	s5 =	simm.s32 @!p2 $0x0  }
0x1d: {  	s5 =	simm.s32 @p1 $0x1;
	p0 =	seq.s32 s7, s2  }
0x1e: {  	s7 =	smul.u32 @!p0 $0xF7A, s2;
	p2 =	seq.s32 @!p0 s5, $0x0  }
0x1f: {  	s9 =	smul.u32 $0xF7A, s1;
	s8 =	simm.s32 @!p0 $0x1BF5;
	p2 =	por !p2, p0  }
0x20: {  	[sflag:s8] =	ssyncset.s32 @!p0 $0xFFFFF086;
	s6 =	sadd.s32 @!p0 s3, s7;
	s7 =	simm.s32 @!p0 $0x108  }
0x21: {  	s3 =	sadd.s32 s3, s9;
	s6 =	sadd.s32 @!p0 $0x88, s6;
	s7 =	simm.s32 @p2 $0x1082  }
0x22: {  	[simem:s7], [sflag:s8] =	dma.local @!p0 [hbm:s6], $0xF7A  }
0x23: {  	s9 =	sor.u32 $0xD0000000, s2;
	s6 =	simm.s32 $0x108;
	_ =	swait.ge @!p0 [sflag:s8], $0x0  }
0x24: {  	s3 =	sadd.s32 $0x88, s3;
	s6 =	simm.s32 @!p1 $0x1082;
	[sflag:s4] =	ssyncset.s32 $0xFFFFF086  }
0x25: {  	[simem:s6], [sflag:s4] =	dma.local [hbm:s3], $0xF7A  }
0x26: {  	[smem:$0x3F9B] =	sst s1;
	(tag) =	ssettag s2;
	_ =	strace s9  }
0x27: {  	s1 =	sld [smem:$0x3FAB]  }
0x28: {  	s2 =	sld [smem:$0x3FAC]  }
0x29: {  	s4 =	sld [smem:$0x3FAE]  }
0x2a: {  	p0 =	seq.s32 s5, $0x0;
	s5 =	sld [smem:$0x3FAF]  }
0x2b: {  	s6 =	sld [smem:$0x3FB0]  }
0x2c: {  	s7 =	sld [smem:$0x3FB1]  }
0x2d: {  	s3 =	simm.s32 $0x108;
	s8 =	sld [smem:$0x3FB2]  }
0x2e: {  	s3 =	simm.s32 @!p0 $0x1082;
	s9 =	sld [smem:$0x3FB3]  }
0x2f: {  	lr =	sadd.s32 s0, s3;
	s0 =	sld [smem:$0x3FAA]  }
0x30: {  	s3 =	sld [smem:$0x3FAD]  }
0x31: {  	[smem:$0x3FB6] =	sst s10  }
0x32: {  	s10 =	sld [smem:$0x3FB4];
	_ =	sdelay $0x3  }
0x33: {  	p0 =	seq.s32 s10, $0x1;
	s10 =	sld [smem:$0x3FB6];
	_ =	sdelay $0x3  }
0x34: {  	[smem:$0x3FB6] =	sst s10  }
0x35: {  	s10 =	sld [smem:$0x3FB5];
	_ =	sdelay $0x3  }
0x36: {  	p1 =	seq.s32 s10, $0x1;
	s10 =	sld [smem:$0x3FB6];
	_ =	sdelay $0x3  }
0x37: {  	[smem:$0x3FB6] =	sst s10  }
0x38: {  	s10 =	sld [smem:$0x3FB7]  }
0x39: {  	_ = 	snop;
	(pc) =	sbr.ind lr, $3  }
0x3a: {  	_ = 	snop  }
0x3b: {  	_ = 	snop  }
0x3c: {  	p2 =	seq.s32 s10, $0x1;
	s10 =	sld [smem:$0x3FB6]  }
0x3d: {  	_ =	shalt  }
0x3e: {  	_ =	shalt  }
0x3f: {  	_ =	shalt  }
0x40: {  	_ =	shalt  }
0x41: {  	_ =	shalt  }
0x42: {  	_ =	shalt  }
0x43: {  	_ =	shalt  }
0x44: {  	_ =	shalt  }
0x45: {  	_ =	shalt  }
0x46: {  	_ =	shalt  }
0x47: {  	_ =	shalt  }
0x48: {  	_ =	shalt  }
0x49: {  	_ =	shalt  }
0x4a: {  	_ =	shalt  }
0x4b: {  	_ =	shalt  }
0x4c: {  	_ =	shalt  }
0x4d: {  	_ =	shalt  }
0x4e: {  	_ =	shalt  }
0x4f: {  	_ =	shalt  }
0x50: {  	_ =	shalt  }
0x51: {  	_ =	shalt  }
0x52: {  	_ =	shalt  }
0x53: {  	_ =	shalt  }
0x54: {  	_ =	shalt  }
0x55: {  	_ =	shalt  }
0x56: {  	_ =	shalt  }
0x57: {  	_ =	shalt  }
0x58: {  	_ =	shalt  }
0x59: {  	_ =	shalt  }
0x5a: {  	_ =	shalt  }
0x5b: {  	_ =	shalt  }
0x5c: {  	_ =	shalt  }
0x5d: {  	_ =	shalt  }
0x5e: {  	_ =	shalt  }
0x5f: {  	_ =	shalt  }
0x60: {  	_ =	shalt  }
0x61: {  	_ =	shalt  }
0x62: {  	_ =	shalt  }
0x63: {  	_ =	shalt  }
0x64: {  	_ =	shalt  }
0x65: {  	_ =	shalt  }
0x66: {  	_ =	shalt  }
0x67: {  	_ =	shalt  }
0x68: {  	_ =	shalt  }
0x69: {  	_ =	shalt  }
0x6a: {  	_ =	shalt  }
0x6b: {  	_ =	shalt  }
0x6c: {  	_ =	shalt  }
0x6d: {  	_ =	shalt  }
0x6e: {  	_ =	shalt  }
0x6f: {  	_ =	shalt  }
0x70: {  	_ =	shalt  }
0x71: {  	_ =	shalt  }
0x72: {  	_ =	shalt  }
0x73: {  	_ =	shalt  }
0x74: {  	_ =	shalt  }
0x75: {  	_ =	shalt  }
0x76: {  	_ =	shalt  }
0x77: {  	_ =	shalt  }
0x78: {  	_ =	shalt  }
0x79: {  	_ =	shalt  }
0x7a: {  	_ =	shalt  }
0x7b: {  	_ =	shalt  }
0x7c: {  	_ =	shalt  }
0x7d: {  	_ =	shalt  }
0x7e: {  	_ =	shalt  }
0x7f: {  	_ =	shalt  }
0x80: {  	_ =	shalt  }
0x81: {  	_ =	shalt  }
0x82: {  	_ =	shalt  }
0x83: {  	_ =	shalt  }
0x84: {  	_ =	shalt  }
0x85: {  	_ =	shalt  }
0x86: {  	_ =	shalt  }
0x87: {  	_ =	shalt  }
.Lfunc_end0:
.L_simem_size_0:
called_computation.1_lowered:
.L_overlay_start_0:
0x88: {  	s2 =	sld [smem:$0x3FD9]  }
0x89: {  	s3 =	sld [smem:$0x3FFE];
	_ =	sdelay $0x1  }
0x8a: {  	s1 =	srdreg.scid  }
0x8b: {  	s0 =	sand.u32 $0x1, s1  }
0x8c: {  	s17 =	sshll.u32 s0, $0xA;
	s2 =	sadd.s32 s3, s2  }
0x8d: {  	s2 =	sadd.s32 s2, s17  }
0x8e: {  	[smem:$0x3FC2] =	sst s2  }
0x8f: {  	_ = 	snop  }
0x90: {  	s2 =	sld [smem:$0x3FD0];
	(tm) =	ssettm $0x1  }
0x91: {  	s18 =	sld [smem:$0x3FFB];
	_ =	sdelay $0x3  }
0x92: {  	_ =	strace s18  }
0x93: {  	s3 =	sld [smem:$0x3FFC];
	_ =	sdelay $0x3  }
0x94: {  	_ =	strace s3  }
0x95: {  	s3 =	sld [smem:$0x3FFD];
	_ =	sdelay $0x3  }
0x96: {  	_ =	strace s3  }
0x97: {  	_ =	strace $0x8FFFFFFF  }
0x98: {  	s19 =	sld [smem:$0x3FDB];
	_ =	sdelay $0x1  }
0x99: {  	s4 =	simm.s32 $_scs_section_size  }
0x9a: {  	s5 =	simm.s32 $_size__tile_overlayer_lowered;
	s6 =	simm.s32 $_tile_overlayer_lowered  }
0x9b: {  	s22 =	simm.s32 $0x1BFF;
	s21 =	sshll.u32 s6, $0x1;
	s3 =	sadd.s32 s4, s19  }
0x9c: {  	s7 =	simm.s32 $0x0;
	s20 =	sshll.u32 s5, $0x1;
	s5 =	sadd.s32 s21, s3  }
0x9d: {  	[timem:s7], [sflag:s22] =	dma.local [hbm:s5], s20  }
0x9e: {  	_ =	swait.ge [sflag:s22], s20  }
0x9f: {  	s4 =	ssub.s32 $0x0, s20;
	[sflag:s22] =	ssyncset.done $0x0  }
0xa0: {  	[sflag:s22] =	ssyncadd.s32 s4;
	_ =	sdelay $0x1  }
0xa1: {  	s23 =	simm.s32 $0x1B8B  }
0xa2: {  	_ =	swait.ge [sflag:s23], $0x1  }
0xa3: {  	[sflag:s23] =	ssyncset.done $0x0  }
0xa4: {  	s25 =	simm.s32 $0x1B8E;
	s24 =	sld [smem:$0x3FFE];
	[sflag:s23] =	ssyncadd.s32 $0xFFFFFFFF  }
0xa5: {  	s26 =	simm.s32 $execute0_lowered;
	[smem:$0x3FD2] =	sst s25  }
0xa6: {  	s5 =	sshll.u32 s26, $0x1;
	_ =	strace $0x80000049;
	[dreg:$0x1] =	wrdreg $0xFFFFFFFF  }
0xa7: {  	s28 =	simm.s32 $_size_execute0_lowered;
	s3 =	sadd.s32 s3, s5;
	[dreg:$0x0] =	wrdreg $0x0  }
0xa8: {  	s5 =	sshll.u32 s28, $0x1;
	[dreg:$0x2] =	wrdreg s3  }
0xa9: {  	[dreg:$0x3] =	wrdreg s5  }
0xaa: {  	[dreg:$0x4] =	wrdreg $0xC0  }
0xab: {  	_ =	task [dreg:s7], $0x5FFFF  }
0xac: {  	[dreg:$0x1] =	wrdreg $0xFFFFFFFF  }
0xad: {  	[dreg:$0x0] =	wrdreg $0x60  }
0xae: {  	[dreg:$0x2] =	wrdreg s24  }
0xaf: {  	[dreg:$0x3] =	wrdreg s2  }
0xb0: {  	[dreg:$0x4] =	wrdreg $0xA8000  }
0xb1: {  	[dreg:$0x5] =	wrdreg $0x9  }
0xb2: {  	_ =	task.clear_ibuf [dreg:s7], $0x6FFFF;
	_ =	strace $0x90000049  }
0xb3: {  	s29 =	simm.s32 $0x9;
	_ =	strace $0x8000004B  }
0xb4: {  	_ =	swait.ge [sflag:s29], $0x1  }
0xb5: {  	[sflag:s29] =	ssyncadd.s32 $0xFFFFFFFF  }
0xb6: {  	_ =	strace $0x9000004B  }
0xb7: {  	_ =	sfence  }
0xb8: {  	s30 =	sld [smem:$0x0];
	_ =	sdelay $0x2  }
0xb9: {  	s31 =	sshll.u32 s1, $0xD;
	s1 =	sshrl.u32 s1, $0x2  }
0xba: {  	s3 =	sand.u32 $0x4000, s31;
	s1 =	sadd.s32 s1, s30  }
0xbb: {  	s0 =	sor.u32 s3, s0;
	s1 =	sshll.u32 s1, $0x11  }
0xbc: {  	s0 =	sor.u32 s1, s0  }
0xbd: {  	s0 =	sadd.s32 $0x8F2B, s0  }
0xbe: {  	[sflag:s0] =	ssyncadd.remote.s32 $0x1  }
0xbf: {  	_ =	sfence.sel $0xFFFF  }
0xc0: {  	[dreg:$0x0] =	wrdreg $0xFFFFFFFF;
	(pc) =	sbr.abs _section_cstart, $3  }
0xc1: {  	[dreg:$0x1] =	wrdreg $0xFFFFFFFF  }
0xc2: {  	_ =	task.clear_ibuf [dreg:s7], $0x2FFFF;
	_ =	strace $0x9FFFFFFF  }
0xc3: {  	(tm) =	ssettm $0x7FFFFFFF  }
tec
execute0_lowered:
.L_overlay_start_1:
0x0: {  	(tag) =	ssettag $0x1  }
0x1: {  	s0 =	rddreg [dreg:$0x0]  }
0x2: {  	s13 =	rddreg [dreg:$0x1]  }
0x3: {  	s1 =	srdreg.scid;
	s3 =	rddreg [dreg:$0x2]  }
0x4: {  	s6 =	stileid.u32;
	s4 =	simm.s32 $0x0;
	s19 =	simm.s32 $0x1400  }
0x5: {  	s21 =	simm.s32 $0x5;
	s23 =	simm.s32 $0x1;
	s28 =	simm.s32 $0x6800  }
0x6: {  	s29 =	simm.s32 $0x4;
	s30 =	simm.s32 $0x3;
	s31 =	simm.s32 $0x2700  }
0x7: {  	s1 =	sand.u32 $0x1, s1;
	[smem:$0x7FF] =	sst s4;
	s5 =	sadd.s32 $0x16200, s0  }
0x8: {  	s10 =	smul.u32 $0x4E000, s6;
	s18 =	sadd.s32 $0x3D400, s0;
	s7 =	sadd.s32 $0x64600, s0  }
0x9: {  	s16 =	smul.u32 $0x2700, s6;
	s11 =	sshll.u32 s6, $0x6;
	s12 =	sadd.s32 $0x138000, s3  }
0xa: {  	p1 =	sne.s32 s6, $0xF;
	p2 =	seq.s32 s6, $0xF;
	s2 =	sshll.u32 s1, $0x4  }
0xb: {  	_ =	strace $0x8000004A;
	s8 =	ssub.s32 $0x2, s1;
	s11 =	sor.u32 $0x1C05, s11  }
0xc: {  	p0 =	seq.s32 s1, $0x1;
	[dreg:$0x4] =	wrdreg s18;
	s22 =	sshrl.u32 @!p1 s12, $0x3  }
0xd: {  	s1 =	simm.s32 $0x2780;
	s2 =	sor.u32 s6, s2;
	s9 =	sshrl.u32 s8, $0x1  }
0xe: {  	s10 =	sshrl.u32 s10, $0x2;
	s25 =	sadd.s32 s18, s16;
	s26 =	sadd.s32 s7, s16  }
0xf: {  	s2 =	smul.u32 $0x2800, s2;
	s24 =	ssub.s32 s8, s9;
	s17 =	sadd.s32 s10, s3  }
0x10: {  	s10 =	sadd.s32 s13, s16;
	s13 =	sadd.s32 $0x27000, s13;
	[dreg:$0x5] =	wrdreg s25  }
.Ltmp0:
0x11: {  	[dreg:$0x6] =	wrdreg s26;
	s25 =	simm.s32 $0x7D;
	(pc) =	sbr.rel .LBB2_1-.Ltmp0, $4  }
0x12: {  	s26 =	simm.s32 $0x2800;
	s18 =	smax.u32 s24, $0x1;
	s2 =	sshrl.u32 s2, $0x3  }
0x13: {  	s20 =	sshrl.u32 s17, $0x3;
	s24 =	simm.s32 $0x2;
	s2 =	sadd.s32 s2, s0  }
0x14: {  	s0 =	simm.s32 $0x1380;
	s8 =	sadd.s32 $0x2200, s2;
	s9 =	sadd.s32 $0xC200, s2  }
0x15: {  	s14 =	sadd.s32 $0x2480, s2;
	s15 =	sadd.s32 $0xC480, s2;
	s2 =	simm.s32 $0x0  }
.LBB2_8:
0x16: {  	s6 =	sadd.s32 $0x27000, s16;
	s17 =	sshrl.u32 s12, $0x3  }
0x17: {  	[hbm:s6], [sflag:s11] =	dma.local [spmem:s17], $0x100  }
0x18: {  	_ =	swait.ge [sflag:s21], $0x100  }
0x19: {  	[sflag:s21] =	ssyncset.done $0x0  }
0x1a: {  	[sflag:s21] =	ssyncadd.s32 $0xFFFFFF00  }
.LBB2_9:
0x1b: {  	s2 =	sadd.s32 $0x1, s2  }
0x1c: {  	p3 =	sne.s32 s2, s18  }
.Ltmp1:
0x1d: {  	_ = 	snop;
	(pc) =	sbr.rel @!p3 .LBB2_10-.Ltmp1, $1  }
0x1e: {  	_ =	sdelay $0x3  }
.LBB2_1:
0x1f: {  	[tilespmem:s4], [sflag:$0x1] =	stream.linear.gather [hbm4b:s8+s4], $0x1400, $0x38;
	[tilespmem:$0x1E080] =	vst v63  }
0x20: {  	_ = 	snop  }
0x21: {  	[tilespmem:s19], [sflag:$0x2] =	stream.linear.gather [hbm4b:s9+s4], $0x1400, $0x38;
	[tilespmem:$0x1E080] =	vst v63  }
0x22: {  	[spmem:s20], [sflag:s11] =	dma.local [hbm:s10], $0x2700  }
0x23: {  	_ =	swait.ge [sflag:s21], $0x2700  }
0x24: {  	[sflag:s21] =	ssyncset.done $0x0  }
0x25: {  	s16 =	simm.s32 @!p1 $0x5;
	[sflag:s21] =	ssyncadd.s32 $0xFFFFD900  }
0x26: {  	[spmem:s22], [sflag:s11] =	dma.local @!p1 [hbm:s13], $0x100  }
0x27: {  	_ =	swait.ge @!p1 [sflag:s16], $0x100  }
0x28: {  	[sflag:s16] =	ssyncset.done @!p1 $0x0  }
0x29: {  	[sflag:s16] =	ssyncadd.s32 @!p1 $0xFFFFFF00  }
0x2a: {  	_ =	swait.ge [sflag:s23], $0x1400  }
0x2b: {  	[sflag:s23] =	ssyncset.done $0x0  }
0x2c: {  	[sflag:s23] =	ssyncadd.s32 $0xFFFFEC00  }
0x2d: {  	_ =	swait.ge [sflag:s24], $0x1400  }
0x2e: {  	[sflag:s24] =	ssyncset.done $0x0  }
0x2f: {  	[sflag:s24] =	ssyncadd.s32 $0xFFFFEC00  }
0x30: {  	[bflag:$0x0] =	sbarrier.arrive $0xFFFF  }
0x31: {  	[tilespmem:s26], [sflag:$0x1] =	stream.indirect.gather [hbm4b:s5+s25], $0x80, s4, s25, $0xb8;
	[tilespmem:$0x1E080] =	vst v63  }
0x32: {  	s6 =	rddreg [dreg:$0x1]  }
0x33: {  	[tilespmem:s28], [sflag:$0x5] =	stream.indirect.gather [hbm4b:s6+s25], $0x80, s19, s25, $0xb8;
	[tilespmem:$0x1E080] =	vst v63  }
0x34: {  	_ =	swait.ge [sflag:s21], $0x3E80  }
0x35: {  	[sflag:s21] =	ssyncset.done $0x0  }
0x36: {  	[sflag:s21] =	ssyncadd.s32 $0xFFFFC180  }
0x37: {  	[spmem:s3] =	stream.indirect.scatter.add.f32 [tilespmem:s28], [sflag:$0x4], $0x80, s19, s25, $0xb8;
	[tilespmem:$0x1E080] =	vst v63  }
0x38: {  	_ =	swait.ge [sflag:s23], $0x3E80  }
0x39: {  	[sflag:s23] =	ssyncset.done $0x0  }
0x3a: {  	s17 =	simm.s32 $0x1400;
	[sflag:s23] =	ssyncadd.s32 $0xFFFFC180  }
0x3b: {  	[spmem:s3] =	stream.indirect.scatter.add.f32 [tilespmem:s26], [sflag:$0x3], $0x80, s17, s25, $0xb8;
	[tilespmem:$0x1E080] =	vst v63  }
0x3c: {  	_ =	swait.ge [sflag:s29], $0x3E80  }
0x3d: {  	[sflag:s29] =	ssyncset.done $0x0  }
0x3e: {  	s6 =	simm.s32 $0x80;
	[sflag:s29] =	ssyncadd.s32 $0xFFFFC180  }
0x3f: {  	[tilespmem:s28], [sflag:$0x2] =	stream.indirect.gather [hbm4b:s5+s25], $0x80, s6, s25, $0xb8;
	[tilespmem:$0x1E080] =	vst v63  }
0x40: {  	_ =	swait.ge [sflag:s24], $0x3E80  }
0x41: {  	[sflag:s24] =	ssyncset.done $0x0  }
0x42: {  	s17 =	simm.s32 $0x1480;
	[sflag:s24] =	ssyncadd.s32 $0xFFFFC180  }
0x43: {  	[spmem:s3] =	stream.indirect.scatter.add.f32 [tilespmem:s28], [sflag:$0x4], $0x80, s17, s25, $0xb8;
	[tilespmem:$0x1E080] =	vst v63  }
0x44: {  	_ =	swait.ge [sflag:s30], $0x3E80  }
0x45: {  	[sflag:s30] =	ssyncset.done $0x0  }
0x46: {  	s16 =	simm.s32 $0x400;
	s17 =	simm.s32 $0x100;
	[sflag:s30] =	ssyncadd.s32 $0xFFFFC180  }
.LBB2_2:
0x47: {  	[tilespmem:s26], [sflag:$0x1] =	stream.indirect.gather [hbm4b:s5+s25], $0x80, s17, s25, $0xb8;
	[tilespmem:$0x1E080] =	vst v63  }
0x48: {  	s17 =	smov.u32 s16  }
0x49: {  	p3 =	sne.s32 s16, $0x4800;
	s16 =	sadd.s32 $0x400, s16;
	_ =	swait.ge [sflag:s23], $0x3E80  }
0x4a: {  	s17 =	sshra.s32 s17, $0x2;
	[sflag:s23] =	ssyncset.done $0x0  }
0x4b: {  	s6 =	sadd.s32 $0x1400, s17;
	[sflag:s23] =	ssyncadd.s32 $0xFFFFC180  }
0x4c: {  	[spmem:s3] =	stream.indirect.scatter.add.f32 [tilespmem:s26], [sflag:$0x3], $0x80, s6, s25, $0xb8;
	[tilespmem:$0x1E080] =	vst v63  }
0x4d: {  	_ =	swait.ge [sflag:s29], $0x3E80  }
0x4e: {  	[sflag:s29] =	ssyncset.done $0x0  }
0x4f: {  	s6 =	sadd.s32 $0x80, s17;
	[sflag:s29] =	ssyncadd.s32 $0xFFFFC180  }
0x50: {  	[tilespmem:s28], [sflag:$0x2] =	stream.indirect.gather [hbm4b:s5+s25], $0x80, s6, s25, $0xb8;
	[tilespmem:$0x1E080] =	vst v63  }
0x51: {  	_ =	swait.ge [sflag:s24], $0x3E80  }
0x52: {  	[sflag:s24] =	ssyncset.done $0x0  }
.Ltmp2:
0x53: {  	s6 =	sadd.s32 $0x1480, s17;
	[sflag:s24] =	ssyncadd.s32 $0xFFFFC180;
	(pc) =	sbr.rel @p3 .LBB2_2-.Ltmp2, $4  }
0x54: {  	[spmem:s3] =	stream.indirect.scatter.add.f32 [tilespmem:s28], [sflag:$0x4], $0x80, s6, s25, $0xb8;
	[tilespmem:$0x1E080] =	vst v63  }
0x55: {  	_ =	swait.ge [sflag:s30], $0x3E80  }
0x56: {  	[sflag:s30] =	ssyncset.done $0x0  }
0x57: {  	s17 =	sadd.s32 $0x100, s17;
	[sflag:s30] =	ssyncadd.s32 $0xFFFFC180  }
0x58: {  	[tilespmem:s26], [sflag:$0x1] =	stream.indirect.gather [hbm4b:s5+s25], $0x80, s17, s25, $0xb8;
	[tilespmem:$0x1E080] =	vst v63  }
0x59: {  	_ =	swait.ge [sflag:s23], $0x3E80  }
0x5a: {  	[sflag:s23] =	ssyncset.done $0x0  }
0x5b: {  	[sflag:s23] =	ssyncadd.s32 $0xFFFFC180  }
0x5c: {  	[spmem:s3] =	stream.indirect.scatter.add.f32 [tilespmem:s26], [sflag:$0x3], $0x80, s31, s25, $0xb8;
	[tilespmem:$0x1E080] =	vst v63  }
0x5d: {  	_ =	swait.ge [sflag:s29], $0x3E80  }
0x5e: {  	[sflag:s29] =	ssyncset.done $0x0  }
0x5f: {  	[sflag:s29] =	ssyncadd.s32 $0xFFFFC180  }
0x60: {  	[tilespmem:s28], [sflag:$0x2] =	stream.indirect.gather [hbm4b:s5+s25], $0x80, s0, s25, $0xb8;
	[tilespmem:$0x1E080] =	vst v63  }
0x61: {  	_ =	swait.ge [sflag:s24], $0x3E80  }
0x62: {  	[sflag:s24] =	ssyncset.done $0x0  }
0x63: {  	[sflag:s24] =	ssyncadd.s32 $0xFFFFC180  }
0x64: {  	[spmem:s3] =	stream.indirect.scatter.add.f32 [tilespmem:s28], [sflag:$0x4], $0x80, s1, s25, $0xb8;
	[tilespmem:$0x1E080] =	vst v63  }
0x65: {  	_ =	swait.ge [sflag:s30], $0x3E80  }
0x66: {  	[sflag:s30] =	ssyncset.done $0x0  }
0x67: {  	s6 =	simm.s32 $0x0;
	[sflag:s30] =	ssyncadd.s32 $0xFFFFC180  }
0x68: {  	[tilespmem:s6], [sflag:$0x5] =	stream.linear.gather [hbm4b:s14+s6], $0x1400, $0x38;
	[tilespmem:$0x1E080] =	vst v63  }
0x69: {  	_ =	swait.ge [sflag:s21], $0x1400  }
0x6a: {  	[sflag:s21] =	ssyncset.done $0x0  }
0x6b: {  	[sflag:s21] =	ssyncadd.s32 $0xFFFFEC00  }
0x6c: {  	[tilespmem:s19], [sflag:$0x5] =	stream.linear.gather [hbm4b:s15+s6], $0x1400, $0x38;
	[tilespmem:$0x1E080] =	vst v63  }
0x6d: {  	_ =	swait.ge [sflag:s21], $0x1400  }
0x6e: {  	[sflag:s21] =	ssyncset.done $0x0  }
0x6f: {  	[sflag:s21] =	ssyncadd.s32 $0xFFFFEC00  }
0x70: {  	[tilespmem:s26], [sflag:$0x1] =	stream.indirect.gather [hbm4b:s5+s25], $0x80, s6, s25, $0xb8;
	[tilespmem:$0x1E080] =	vst v63  }
0x71: {  	_ =	swait.ge [sflag:s23], $0x3E80  }
0x72: {  	[sflag:s23] =	ssyncset.done $0x0  }
0x73: {  	s17 =	simm.s32 $0x1400;
	[sflag:s23] =	ssyncadd.s32 $0xFFFFC180  }
0x74: {  	[spmem:s3] =	stream.indirect.scatter.add.f32 [tilespmem:s26], [sflag:$0x3], $0x80, s17, s25, $0xb8;
	[tilespmem:$0x1E080] =	vst v63  }
0x75: {  	_ =	swait.ge [sflag:s29], $0x3E80  }
0x76: {  	[sflag:s29] =	ssyncset.done $0x0  }
0x77: {  	s16 =	simm.s32 $0x80;
	[sflag:s29] =	ssyncadd.s32 $0xFFFFC180  }
0x78: {  	[tilespmem:s28], [sflag:$0x2] =	stream.indirect.gather [hbm4b:s5+s25], $0x80, s16, s25, $0xb8;
	[tilespmem:$0x1E080] =	vst v63  }
0x79: {  	_ =	swait.ge [sflag:s24], $0x3E80  }
0x7a: {  	[sflag:s24] =	ssyncset.done $0x0  }
0x7b: {  	s17 =	simm.s32 $0x1480;
	[sflag:s24] =	ssyncadd.s32 $0xFFFFC180  }
0x7c: {  	[spmem:s3] =	stream.indirect.scatter.add.f32 [tilespmem:s28], [sflag:$0x4], $0x80, s17, s25, $0xb8;
	[tilespmem:$0x1E080] =	vst v63  }
0x7d: {  	_ =	swait.ge [sflag:s30], $0x3E80  }
0x7e: {  	[sflag:s30] =	ssyncset.done $0x0  }
0x7f: {  	s16 =	simm.s32 $0x400;
	s17 =	simm.s32 $0x100;
	[sflag:s30] =	ssyncadd.s32 $0xFFFFC180  }
.LBB2_4:
0x80: {  	[tilespmem:s26], [sflag:$0x1] =	stream.indirect.gather [hbm4b:s5+s25], $0x80, s17, s25, $0xb8;
	[tilespmem:$0x1E080] =	vst v63  }
0x81: {  	s6 =	smov.u32 s16  }
0x82: {  	p3 =	sne.s32 s16, $0x4800;
	s16 =	sadd.s32 $0x400, s16;
	_ =	swait.ge [sflag:s23], $0x3E80  }
0x83: {  	s6 =	sshra.s32 s6, $0x2;
	[sflag:s23] =	ssyncset.done $0x0  }
0x84: {  	s17 =	sadd.s32 $0x1400, s6;
	[sflag:s23] =	ssyncadd.s32 $0xFFFFC180  }
0x85: {  	[spmem:s3] =	stream.indirect.scatter.add.f32 [tilespmem:s26], [sflag:$0x3], $0x80, s17, s25, $0xb8;
	[tilespmem:$0x1E080] =	vst v63  }
0x86: {  	_ =	swait.ge [sflag:s29], $0x3E80  }
0x87: {  	[sflag:s29] =	ssyncset.done $0x0  }
0x88: {  	s17 =	sadd.s32 $0x80, s6;
	[sflag:s29] =	ssyncadd.s32 $0xFFFFC180  }
0x89: {  	[tilespmem:s28], [sflag:$0x2] =	stream.indirect.gather [hbm4b:s5+s25], $0x80, s17, s25, $0xb8;
	[tilespmem:$0x1E080] =	vst v63  }
0x8a: {  	_ =	swait.ge [sflag:s24], $0x3E80  }
0x8b: {  	[sflag:s24] =	ssyncset.done $0x0  }
.Ltmp3:
0x8c: {  	s17 =	sadd.s32 $0x1480, s6;
	[sflag:s24] =	ssyncadd.s32 $0xFFFFC180;
	(pc) =	sbr.rel @p3 .LBB2_4-.Ltmp3, $4  }
0x8d: {  	[spmem:s3] =	stream.indirect.scatter.add.f32 [tilespmem:s28], [sflag:$0x4], $0x80, s17, s25, $0xb8;
	[tilespmem:$0x1E080] =	vst v63  }
0x8e: {  	_ =	swait.ge [sflag:s30], $0x3E80  }
0x8f: {  	[sflag:s30] =	ssyncset.done $0x0  }
0x90: {  	s17 =	sadd.s32 $0x100, s6;
	[sflag:s30] =	ssyncadd.s32 $0xFFFFC180  }
0x91: {  	[tilespmem:s26], [sflag:$0x1] =	stream.indirect.gather [hbm4b:s5+s25], $0x80, s17, s25, $0xb8;
	[tilespmem:$0x1E080] =	vst v63  }
0x92: {  	_ =	swait.ge [sflag:s23], $0x3E80  }
0x93: {  	[sflag:s23] =	ssyncset.done $0x0  }
0x94: {  	[sflag:s23] =	ssyncadd.s32 $0xFFFFC180  }
0x95: {  	[spmem:s3] =	stream.indirect.scatter.add.f32 [tilespmem:s26], [sflag:$0x3], $0x80, s31, s25, $0xb8;
	[tilespmem:$0x1E080] =	vst v63  }
0x96: {  	_ =	swait.ge [sflag:s29], $0x3E80  }
0x97: {  	[sflag:s29] =	ssyncset.done $0x0  }
0x98: {  	[sflag:s29] =	ssyncadd.s32 $0xFFFFC180  }
0x99: {  	[tilespmem:s28], [sflag:$0x2] =	stream.indirect.gather [hbm4b:s5+s25], $0x80, s0, s25, $0xb8;
	[tilespmem:$0x1E080] =	vst v63  }
0x9a: {  	_ =	swait.ge [sflag:s24], $0x3E80  }
0x9b: {  	[sflag:s24] =	ssyncset.done $0x0  }
0x9c: {  	[sflag:s24] =	ssyncadd.s32 $0xFFFFC180  }
0x9d: {  	[spmem:s3] =	stream.indirect.scatter.add.f32 [tilespmem:s28], [sflag:$0x4], $0x80, s1, s25, $0xb8;
	[tilespmem:$0x1E080] =	vst v63  }
0x9e: {  	_ =	swait.ge [sflag:s30], $0x3E80  }
0x9f: {  	[sflag:s30] =	ssyncset.done $0x0  }
0xa0: {  	[sflag:s30] =	ssyncadd.s32 $0xFFFFC180  }
.Ltmp4:
0xa1: {  	_ =	swait.ge [sflag:s29], $0x3E80;
	(pc) =	sbr.rel @!p0 .LBB2_6-.Ltmp4, $3  }
0xa2: {  	[sflag:s29] =	ssyncset.done $0x0  }
0xa3: {  	[sflag:s29] =	ssyncadd.s32 $0xFFFFC180  }
0xa4: {  	[bflag:$0x0] =	sbarrier.arrive $0xFFFF;
	_ =	sdelay $0x1  }
0xa5: {  	s6 =	rddreg [dreg:$0x6]  }
0xa6: {  	[hbm:s6], [sflag:s11] =	dma.local [spmem:s20], $0x2700  }
.Ltmp5:
0xa7: {  	_ = 	snop;
	(pc) =	sbr.rel @p1 .LBB2_9-.Ltmp5, $4  }
.Ltmp6:
0xa8: {  	_ = 	snop;
	(pc) =	sbr.rel @!p1 .LBB2_8-.Ltmp6, $4  }
0xa9: {  	_ =	swait.ge [sflag:s21], $0x2700  }
0xaa: {  	[sflag:s21] =	ssyncset.done $0x0  }
0xab: {  	s16 =	smov.u32 s7;
	[sflag:s21] =	ssyncadd.s32 $0xFFFFD900  }
0xac: {  	_ = 	snop  }
.LBB2_6:
0xad: {  	s6 =	rddreg [dreg:$0x5]  }
0xae: {  	[hbm:s6], [sflag:s11] =	dma.local [spmem:s20], $0x2700  }
.Ltmp7:
0xaf: {  	_ = 	snop;
	(pc) =	sbr.rel @p2 .LBB2_8-.Ltmp7, $4  }
.Ltmp8:
0xb0: {  	_ = 	snop;
	(pc) =	sbr.rel @!p2 .LBB2_9-.Ltmp8, $4  }
0xb1: {  	_ =	swait.ge [sflag:s21], $0x2700  }
0xb2: {  	[sflag:s21] =	ssyncset.done $0x0  }
0xb3: {  	s16 =	rddreg [dreg:$0x4];
	[sflag:s21] =	ssyncadd.s32 $0xFFFFD900  }
0xb4: {  	_ = 	snop  }
.LBB2_10:
0xb5: {  	_ =	sfence.sel $0x180000  }
0xb6: {  	[bflag:$0x0] =	sbarrier.arrive $0xFFFF  }
0xb7: {  	_ =	strace $0x9000004A  }
0xb8: {  	s0 =	stileid.u32;
	[bflag:$0x2] =	sbarrier.arrive $0xFFFF  }
0xb9: {  	p0 =	sne.s32 s0, $0x0;
	s0 =	rddreg [dreg:$0x3]  }
0xba: {  	s0 =	sadd.s32 @!p0 $0x100000, s0  }
0xbb: {  	[sflag:s0] =	ssyncadd.tile.s32 @!p0 $0x1;
	_ =	shalt  }
.Lfunc_end2:
_tile_overlayer_lowered:
.L_overlay_start_2:
0xbc: {  	(tag) =	ssettag $0x2  }
0xbd: {  	s0 =	rddreg [dreg:$0x0];
	s2 =	stileid.u32  }
0xbe: {  	s1 =	rddreg [dreg:$0x1];
	p0 =	sne.s32 s2, $0x0  }
0xbf: {  	s3 =	rddreg [dreg:$0x2];
	[bflag:$0x3] =	sbarrier.arrive $0xFFFF;
	s2 =	simm.s32 @!p0 $0x1C05  }
0xc0: {  	[timem:s3], [sflag:s2] =	dma.local @!p0 [hbm:s0], s1  }
0xc1: {  	s0 =	simm.s32 @!p0 $0x5  }
0xc2: {  	_ =	swait.ge @!p0 [sflag:s0], s1  }
0xc3: {  	s1 =	ssub.s32 @!p0 $0x0, s1;
	[sflag:s0] =	ssyncset.done @!p0 $0x0  }
0xc4: {  	[sflag:s0] =	ssyncadd.s32 @!p0 s1  }
0xc5: {  	[bflag:$0x3] =	sbarrier.arrive $0xFFFF  }
0xc6: {  	_ =	shalt  }

</sc_bundles>
